<compile_context>
chip_gen: v7x
topology: tpu7x:2x2x1
jax: 0.10.2.dev20260603
libtpu: 0.0.44.dev20260713+nightly
codegen_flags: <defaults>
</compile_context>

<pallas_src>
import functools

import jax
import jax.numpy as jnp
from jax import lax
from jax.experimental import pallas as pl
from jax.experimental.pallas import tpu as pltpu
from jax.experimental.pallas import tpu_sc as plsc

B, H, W, N, M = 16, 128, 128, 512, 512
HW = H * W
NS = 16

F = jnp.float32
C041 = 0.41
OFFY = (0.0, 1.0, 0.0, 1.0)
OFFX = (0.0, 0.0, 1.0, 1.0)


def _iou16(w0, y0, x0, w1, y1, x1):
    a0 = (w0 * w0) * C041
    a1 = (w1 * w1) * C041
    ay0 = y0 - w0 * 0.5
    ay1 = y0 + w0 * 0.5
    ax0 = x0 - (C041 * w0) * 0.5
    ax1 = x0 + (C041 * w0) * 0.5
    by0 = y1 - w1 * 0.5
    by1 = y1 + w1 * 0.5
    bx0 = x1 - (C041 * w1) * 0.5
    bx1 = x1 + (C041 * w1) * 0.5
    iy = jnp.maximum(jnp.minimum(ay1, by1) - jnp.maximum(ay0, by0), 0.0)
    ix = jnp.maximum(jnp.minimum(ax1, bx1) - jnp.maximum(ax0, bx0), 0.0)
    inter = iy * ix
    union = a0 + a1 - inter
    return inter / (union + 1e-6)


def _sc_body(h_hbm, off_hbm, aidx_hbm, ridx_hbm, am_hbm, rm_hbm, pre_hbm,
             out_hbm, h_v, off_v, aidx_v, ridx_v, am_v, rm_v, pre_v, stage_v,
             buf_v, shared_v, sem_a, sem_r):
    s = lax.axis_index("s")
    b = s

    group_a = [
        pltpu.async_copy(h_hbm.at[b, 0], h_v, sem_a),
        pltpu.async_copy(off_hbm.at[b], off_v, sem_a),
        pltpu.async_copy(aidx_hbm.at[b], aidx_v, sem_a),
        pltpu.async_copy(am_hbm.at[b], am_v, sem_a),
    ]
    group_r = [
        pltpu.async_copy(ridx_hbm.at[b], ridx_v, sem_r),
        pltpu.async_copy(rm_hbm.at[b], rm_v, sem_r),
        pltpu.async_copy(pre_hbm.at[b], pre_v, sem_r),
    ]
    for d in group_a:
        d.wait()

    la = lax.iota(jnp.int32, 16)
    zero = jnp.zeros((16,), F)
    czero = jnp.zeros((16,), jnp.int32)
    cone = czero + 1

    def gat_h(ij):
        return plsc.load_gather(h_v, [ij >> 7, ij & 127])

    def gat_off(cc, ij):
        return plsc.load_gather(off_v, [cc, ij >> 7, ij & 127])

    def a_body(i, carry):
        acc, accn = carry
        nv = i * 16 + la
        hs, ys, xs, ms = [], [], [], []
        for j in range(4):
            jv = czero + j
            ij = plsc.load_gather(aidx_v, [jv, nv])
            hs.append(gat_h(ij))
            ys.append(gat_off(czero, ij) + OFFY[j])
            xs.append(gat_off(cone, ij) + OFFX[j])
            ms.append(plsc.load_gather(am_v, [jv, nv]))
        hm = (hs[0] + hs[1] + hs[2] + hs[3]) * 0.25
        ym = (ys[0] + ys[1] + ys[2] + ys[3]) * 0.25
        xm = (xs[0] + xs[1] + xs[2] + xs[3]) * 0.25
        wb = jnp.exp(hm)
        for j in range(4):
            wa = jnp.exp(hs[j])
            v = _iou16(wa, ys[j], xs[j], wb, ym, xm)
            acc = acc + ms[j] * (1.0 - v)
            accn = accn + ms[j]
        return acc, accn

    acc_a, acc_an = lax.fori_loop(0, N // 16, a_body, (zero, zero))

    for d in group_r:
        d.wait()

    def r_body(i, carry):
        acc, accn = carry
        mv = i * 16 + la
        boxes = []
        for p in range(2):
            pv = czero + p
            hsum, ysum, xsum = None, None, None
            for j in range(4):
                ij = plsc.load_gather(ridx_v, [pv, czero + j, mv])
                hj = gat_h(ij)
                yj = gat_off(czero, ij)
                xj = gat_off(cone, ij)
                hsum = hj if hsum is None else hsum + hj
                ysum = yj if ysum is None else ysum + yj
                xsum = xj if xsum is None else xsum + xj
            hm = hsum * 0.25
            ym = ysum * 0.25 + 0.5
            xm = xsum * 0.25 + 0.5
            if p == 1:
                ym = ym + plsc.load_gather(pre_v, [czero, mv])
                xm = xm + plsc.load_gather(pre_v, [cone, mv])
            boxes.append((jnp.exp(hm), ym, xm))
        v = _iou16(*boxes[0], *boxes[1])
        mr = plsc.load_gather(rm_v, [mv])
        return acc + mr * v, accn + mr

    acc_r, acc_rn = lax.fori_loop(0, M // 16, r_body, (zero, zero))

    stage_v[pl.ds(0, 16)] = acc_a
    stage_v[pl.ds(16, 16)] = acc_an
    stage_v[pl.ds(32, 16)] = acc_r
    stage_v[pl.ds(48, 16)] = acc_rn
    stage_v[pl.ds(64, 16)] = zero
    stage_v[pl.ds(80, 16)] = zero
    stage_v[pl.ds(96, 16)] = zero
    stage_v[pl.ds(112, 16)] = zero
    pltpu.sync_copy(stage_v, shared_v.at[s])
    plsc.subcore_barrier()

    @pl.when(s == 0)
    def _final():
        pltpu.sync_copy(shared_v, buf_v)
        sa, san, sr, srn = zero, zero, zero, zero
        for w2 in range(NS):
            sa = sa + buf_v[w2, pl.ds(0, 16)]
            san = san + buf_v[w2, pl.ds(16, 16)]
            sr = sr + buf_v[w2, pl.ds(32, 16)]
            srn = srn + buf_v[w2, pl.ds(48, 16)]
        sav = zero + jnp.sum(sa)
        sanv = zero + jnp.sum(san)
        srv = zero + jnp.sum(sr)
        srnv = zero + jnp.sum(srn)
        stage_v[pl.ds(0, 16)] = sav / (sanv + 1e-4) + srv / (srnv + 1e-4)
        pltpu.sync_copy(stage_v.at[pl.ds(0, 8)], out_hbm)


def kernel(output_h, output_off, target_h, target_off, attract, repel,
           mask_attract, mask_repel, pre_off):
    del target_h, target_off
    aidx = jnp.transpose(attract, (0, 2, 1)).astype(jnp.int32)
    ridx = jnp.transpose(repel, (0, 2, 3, 1)).astype(jnp.int32)
    am = jnp.transpose(mask_attract, (0, 2, 1)).astype(F)
    rm = mask_repel.astype(F).reshape(B, M)
    pre = jnp.transpose(pre_off, (0, 2, 1))

    mesh = plsc.VectorSubcoreMesh(core_axis_name="c", subcore_axis_name="s",
                                  num_cores=1)
    sc_call = functools.partial(
        pl.kernel,
        out_type=jax.ShapeDtypeStruct((8,), F),
        mesh=mesh,
        compiler_params=pltpu.CompilerParams(needs_layout_passes=False),
        scratch_types=[
            pltpu.VMEM((H, W), F),
            pltpu.VMEM((2, H, W), F),
            pltpu.VMEM((4, N), jnp.int32),
            pltpu.VMEM((2, 4, M), jnp.int32),
            pltpu.VMEM((4, N), F),
            pltpu.VMEM((M,), F),
            pltpu.VMEM((2, M), F),
            pltpu.VMEM((128,), F),
            pltpu.VMEM((NS, 128), F),
            pltpu.VMEM_SHARED((NS, 128), F),
            pltpu.SemaphoreType.DMA,
            pltpu.SemaphoreType.DMA,
        ],
    )(_sc_body)
    out = sc_call(output_h, output_off, aidx, ridx, am, rm, pre)
    return out[0]

# --- scband reference (transcript-rebuilt; emitter-appended) ---
"""Pipeline reference for scband-io-uloss-2216203125376 (READ-ONLY COPY).

The authoritative reference and input builder live on the scoring server;
editing this copy changes nothing except your own understanding.
"""

import jax, jax.numpy as jnp
import numpy as np


def _gather_feat(feat, ind):
    # feat: [B, C, H, W]; ind: [B, N] -> [B, N, C] (transpose_and_gather_feat)
    B, C, H, W = feat.shape
    f = jnp.transpose(feat, (0, 2, 3, 1)).reshape(B, H * W, C)
    idx = jnp.broadcast_to(ind[:, :, None], (B, ind.shape[1], C))
    return jnp.take_along_axis(f, idx, axis=1)


def _iou(BoxA, BoxB):
    areaA = BoxA[..., 0] * BoxA[..., 0] * 0.41
    areaB = BoxB[..., 0] * BoxB[..., 0] * 0.41
    A_y_min = BoxA[..., 1] - BoxA[..., 0] / 2
    A_x_min = BoxA[..., 2] - 0.41 * BoxA[..., 0] / 2
    A_y_max = BoxA[..., 1] + BoxA[..., 0] / 2
    A_x_max = BoxA[..., 2] + 0.41 * BoxA[..., 0] / 2
    B_y_min = BoxB[..., 1] - BoxB[..., 0] / 2
    B_x_min = BoxB[..., 2] - 0.41 * BoxB[..., 0] / 2
    B_y_max = BoxB[..., 1] + BoxB[..., 0] / 2
    B_x_max = BoxB[..., 2] + 0.41 * BoxB[..., 0] / 2
    y_min_max = jnp.maximum(A_y_min, B_y_min)
    x_min_max = jnp.maximum(A_x_min, B_x_min)
    y_max_min = jnp.minimum(A_y_max, B_y_max)
    x_max_min = jnp.minimum(A_x_max, B_x_max)
    I = jnp.maximum(y_max_min - y_min_max, 0.0) * jnp.maximum(x_max_min - x_min_max, 0.0)
    U = areaA + areaB - I
    return I / (U + 1e-06)


def setup_inputs(seed: int = 0) -> dict:
    key = jax.random.key(seed)
    ks = jax.random.split(key, 9)
    B, H, W, N, M = 16, 128, 128, 512, 512
    inp = {}
    inp['output_h'] = jax.random.normal(ks[0], (B, 1, H, W), dtype=jnp.float32)
    inp['output_off'] = jax.random.normal(ks[1], (B, 2, H, W), dtype=jnp.float32)
    inp['target_h'] = jax.random.normal(ks[2], (B, N, 1), dtype=jnp.float32)
    inp['target_off'] = jax.random.normal(ks[3], (B, N, 2), dtype=jnp.float32)
    inp['attract'] = jax.random.randint(ks[4], (B, N, 4), 0, H * W, dtype=jnp.int64 if jax.config.jax_enable_x64 else jnp.int32)
    inp['repel'] = jax.random.randint(ks[5], (B, M, 2, 4), 0, H * W, dtype=jnp.int64 if jax.config.jax_enable_x64 else jnp.int32)
    inp['mask_attract'] = jax.random.bernoulli(ks[6], 0.5, (B, N, 4))
    inp['mask_repel'] = jax.random.bernoulli(ks[7], 0.5, (B, M, 1))
    inp['pre_off'] = jax.random.normal(ks[8], (B, M, 2), dtype=jnp.float32)
    return inp


def reference(output_h, output_off, target_h, target_off, attract, repel, mask_attract, mask_repel, pre_off):
    B = output_h.shape[0]
    off4 = jnp.array([[0, 0], [1, 0], [0, 1], [1, 1]], dtype=jnp.float32)
    # attract branch
    attract_num = mask_attract.sum().astype(jnp.float32)
    a_flat = attract.reshape(B, -1)
    attract_h = _gather_feat(output_h, a_flat).reshape(B, attract.shape[1], attract.shape[2], 1)
    attract_h_mean = attract_h.mean(axis=2, keepdims=True)
    attract_off = _gather_feat(output_off, a_flat).reshape(B, attract.shape[1], attract.shape[2], -1)
    attract_off = attract_off + off4.reshape(1, 1, 4, 2)
    attract_off_mean = attract_off.mean(axis=2, keepdims=True)
    attract_iou = _iou(jnp.concatenate((jnp.exp(attract_h), attract_off), axis=-1),
                       jnp.concatenate((jnp.exp(attract_h_mean), attract_off_mean), axis=-1))
    attract_loss = (1.0 - attract_iou) / (attract_num + 0.0001)
    attract_loss = jnp.where(mask_attract, attract_loss, 0.0).sum()
    # repel branch
    repel_num = mask_repel.sum().astype(jnp.float32)
    r_flat = repel.reshape(B, -1)
    repel_h = _gather_feat(output_h, r_flat).reshape(B, repel.shape[1], repel.shape[2], repel.shape[3], 1)
    repel_h_mean = repel_h.mean(axis=3, keepdims=True)
    repel_off = _gather_feat(output_off, r_flat).reshape(B, repel.shape[1], repel.shape[2], repel.shape[3], -1)
    repel_off = repel_off + off4.reshape(1, 1, 1, 4, 2)
    repel_off_mean = repel_off.mean(axis=3, keepdims=True)
    repel_off_mean = repel_off_mean.at[:, :, 1:2, :, :].add(
        pre_off.reshape(B, pre_off.shape[1], 1, 1, pre_off.shape[2]))
    box = jnp.concatenate((jnp.exp(repel_h_mean), repel_off_mean), axis=-1)
    repel_iou = _iou(box[:, :, 0, :, :], box[:, :, 1, :, :])
    repel_loss = repel_iou / (repel_num + 0.0001)
    repel_loss = jnp.where(mask_repel, repel_loss, 0.0).sum()
    return attract_loss + repel_loss

if __name__ == "__main__":
    import jax
    _d = setup_inputs()
    print(jax.jit(kernel)(*tuple(_d.values())))

</pallas_src>

<mosaic_0001>
#map = affine_map<(d0, d1) -> (0, 0, 0, 0)>
#map1 = affine_map<(d0, d1) -> (0, 0, 0)>
#map2 = affine_map<(d0, d1) -> (0, 0)>
#map3 = affine_map<(d0, d1) -> (0)>
module attributes {stable_mosaic.version = 14 : i64} {
  func.func @_sc_body(%arg0: i32, %arg1: i32, %arg2: memref<16x1x128x128xf32, #tpu.memory_space<hbm>>, %arg3: memref<16x2x128x128xf32, #tpu.memory_space<hbm>>, %arg4: memref<16x4x512xi32, #tpu.memory_space<hbm>>, %arg5: memref<16x2x4x512xi32, #tpu.memory_space<hbm>>, %arg6: memref<16x4x512xf32, #tpu.memory_space<hbm>>, %arg7: memref<16x512xf32, #tpu.memory_space<hbm>>, %arg8: memref<16x2x512xf32, #tpu.memory_space<hbm>>, %arg9: memref<8xf32, #tpu.memory_space<hbm>>, %arg10: memref<128x128xf32, #tpu.memory_space<vmem>>, %arg11: memref<2x128x128xf32, #tpu.memory_space<vmem>>, %arg12: memref<4x512xi32, #tpu.memory_space<vmem>>, %arg13: memref<2x4x512xi32, #tpu.memory_space<vmem>>, %arg14: memref<4x512xf32, #tpu.memory_space<vmem>>, %arg15: memref<512xf32, #tpu.memory_space<vmem>>, %arg16: memref<2x512xf32, #tpu.memory_space<vmem>>, %arg17: memref<128xf32, #tpu.memory_space<vmem>>, %arg18: memref<16x128xf32, #tpu.memory_space<vmem>>, %arg19: memref<16x128xf32, #tpu.memory_space<vmem_shared>>, %arg20: memref<!tpu.dma_semaphore, #tpu.memory_space<semaphore_mem>>, %arg21: memref<!tpu.dma_semaphore, #tpu.memory_space<semaphore_mem>>) attributes {dimension_semantics = [#tpu.dimension_semantics<core_parallel>, #tpu.dimension_semantics<subcore_parallel>], iteration_bounds = array<i64: 1, 16>, scalar_prefetch = 0 : i64, scratch_operands = 12 : i64, tpu.core_type = #tpu.core_type<sc_vector_subcore>, window_params = [{transform_indices = #map}, {transform_indices = #map}, {transform_indices = #map1}, {transform_indices = #map}, {transform_indices = #map1}, {transform_indices = #map2}, {transform_indices = #map1}, {transform_indices = #map3}]} {
    %dma_start3A = arith.constant 0 : i32
    %dma_start3A_0 = arith.constant 0 : i32
    %dma_start3A_1 = arith.constant 0 : i32
    %dma_start3A_2 = tpu.memref_slice %arg2[%arg1, %dma_start3A, %dma_start3A_0, %dma_start3A_1] : memref<16x1x128x128xf32, #tpu.memory_space<hbm>> -> memref<1x1x128x128xf32, #tpu.memory_space<hbm>>
    %dma_start3A_3 = tpu.memref_squeeze %dma_start3A_2 : memref<1x1x128x128xf32, #tpu.memory_space<hbm>> -> memref<128x128xf32, #tpu.memory_space<hbm>>
    %dma_start3A_4 = arith.constant 0 : i32
    %dma_start3A_5 = arith.constant 0 : i32
    %dma_start3A_6 = tpu.memref_slice %arg2[%arg1, %dma_start3A, %dma_start3A_4, %dma_start3A_5] : memref<16x1x128x128xf32, #tpu.memory_space<hbm>> -> memref<1x1x128x128xf32, #tpu.memory_space<hbm>>
    %dma_start3A_7 = tpu.memref_squeeze %dma_start3A_6 : memref<1x1x128x128xf32, #tpu.memory_space<hbm>> -> memref<128x128xf32, #tpu.memory_space<hbm>>
    tpu.enqueue_dma source(%dma_start3A_7 : memref<128x128xf32, #tpu.memory_space<hbm>>) target(%arg10 : memref<128x128xf32, #tpu.memory_space<vmem>>) target_semaphore(%arg20 : memref<!tpu.dma_semaphore, #tpu.memory_space<semaphore_mem>>)
    %dma_start3A_8 = arith.constant 0 : i32
    %dma_start3A_9 = arith.constant 0 : i32
    %dma_start3A_10 = arith.constant 0 : i32
    %dma_start3A_11 = tpu.memref_slice %arg3[%arg1, %dma_start3A_8, %dma_start3A_9, %dma_start3A_10] : memref<16x2x128x128xf32, #tpu.memory_space<hbm>> -> memref<1x2x128x128xf32, #tpu.memory_space<hbm>>
    %dma_start3A_12 = tpu.memref_squeeze %dma_start3A_11 : memref<1x2x128x128xf32, #tpu.memory_space<hbm>> -> memref<2x128x128xf32, #tpu.memory_space<hbm>>
    %dma_start3A_13 = arith.constant 0 : i32
    %dma_start3A_14 = arith.constant 0 : i32
    %dma_start3A_15 = arith.constant 0 : i32
    %dma_start3A_16 = tpu.memref_slice %arg3[%arg1, %dma_start3A_13, %dma_start3A_14, %dma_start3A_15] : memref<16x2x128x128xf32, #tpu.memory_space<hbm>> -> memref<1x2x128x128xf32, #tpu.memory_space<hbm>>
    %dma_start3A_17 = tpu.memref_squeeze %dma_start3A_16 : memref<1x2x128x128xf32, #tpu.memory_space<hbm>> -> memref<2x128x128xf32, #tpu.memory_space<hbm>>
    tpu.enqueue_dma source(%dma_start3A_17 : memref<2x128x128xf32, #tpu.memory_space<hbm>>) target(%arg11 : memref<2x128x128xf32, #tpu.memory_space<vmem>>) target_semaphore(%arg20 : memref<!tpu.dma_semaphore, #tpu.memory_space<semaphore_mem>>)
    %dma_start3A_18 = arith.constant 0 : i32
    %dma_start3A_19 = arith.constant 0 : i32
    %dma_start3A_20 = tpu.memref_slice %arg4[%arg1, %dma_start3A_18, %dma_start3A_19] : memref<16x4x512xi32, #tpu.memory_space<hbm>> -> memref<1x4x512xi32, #tpu.memory_space<hbm>>
    %dma_start3A_21 = tpu.memref_squeeze %dma_start3A_20 : memref<1x4x512xi32, #tpu.memory_space<hbm>> -> memref<4x512xi32, #tpu.memory_space<hbm>>
    %dma_start3A_22 = arith.constant 0 : i32
    %dma_start3A_23 = arith.constant 0 : i32
    %dma_start3A_24 = tpu.memref_slice %arg4[%arg1, %dma_start3A_22, %dma_start3A_23] : memref<16x4x512xi32, #tpu.memory_space<hbm>> -> memref<1x4x512xi32, #tpu.memory_space<hbm>>
    %dma_start3A_25 = tpu.memref_squeeze %dma_start3A_24 : memref<1x4x512xi32, #tpu.memory_space<hbm>> -> memref<4x512xi32, #tpu.memory_space<hbm>>
    tpu.enqueue_dma source(%dma_start3A_25 : memref<4x512xi32, #tpu.memory_space<hbm>>) target(%arg12 : memref<4x512xi32, #tpu.memory_space<vmem>>) target_semaphore(%arg20 : memref<!tpu.dma_semaphore, #tpu.memory_space<semaphore_mem>>)
    %dma_start3A_26 = arith.constant 0 : i32
    %dma_start3A_27 = arith.constant 0 : i32
    %dma_start3A_28 = tpu.memref_slice %arg6[%arg1, %dma_start3A_26, %dma_start3A_27] : memref<16x4x512xf32, #tpu.memory_space<hbm>> -> memref<1x4x512xf32, #tpu.memory_space<hbm>>
    %dma_start3A_29 = tpu.memref_squeeze %dma_start3A_28 : memref<1x4x512xf32, #tpu.memory_space<hbm>> -> memref<4x512xf32, #tpu.memory_space<hbm>>
    %dma_start3A_30 = arith.constant 0 : i32
    %dma_start3A_31 = arith.constant 0 : i32
    %dma_start3A_32 = tpu.memref_slice %arg6[%arg1, %dma_start3A_30, %dma_start3A_31] : memref<16x4x512xf32, #tpu.memory_space<hbm>> -> memref<1x4x512xf32, #tpu.memory_space<hbm>>
    %dma_start3A_33 = tpu.memref_squeeze %dma_start3A_32 : memref<1x4x512xf32, #tpu.memory_space<hbm>> -> memref<4x512xf32, #tpu.memory_space<hbm>>
    tpu.enqueue_dma source(%dma_start3A_33 : memref<4x512xf32, #tpu.memory_space<hbm>>) target(%arg14 : memref<4x512xf32, #tpu.memory_space<vmem>>) target_semaphore(%arg20 : memref<!tpu.dma_semaphore, #tpu.memory_space<semaphore_mem>>)
    %dma_start3A_34 = arith.constant 0 : i32
    %dma_start3A_35 = arith.constant 0 : i32
    %dma_start3A_36 = arith.constant 0 : i32
    %dma_start3A_37 = tpu.memref_slice %arg5[%arg1, %dma_start3A_34, %dma_start3A_35, %dma_start3A_36] : memref<16x2x4x512xi32, #tpu.memory_space<hbm>> -> memref<1x2x4x512xi32, #tpu.memory_space<hbm>>
    %dma_start3A_38 = tpu.memref_squeeze %dma_start3A_37 : memref<1x2x4x512xi32, #tpu.memory_space<hbm>> -> memref<2x4x512xi32, #tpu.memory_space<hbm>>
    %dma_start3A_39 = arith.constant 0 : i32
    %dma_start3A_40 = arith.constant 0 : i32
    %dma_start3A_41 = arith.constant 0 : i32
    %dma_start3A_42 = tpu.memref_slice %arg5[%arg1, %dma_start3A_39, %dma_start3A_40, %dma_start3A_41] : memref<16x2x4x512xi32, #tpu.memory_space<hbm>> -> memref<1x2x4x512xi32, #tpu.memory_space<hbm>>
    %dma_start3A_43 = tpu.memref_squeeze %dma_start3A_42 : memref<1x2x4x512xi32, #tpu.memory_space<hbm>> -> memref<2x4x512xi32, #tpu.memory_space<hbm>>
    tpu.enqueue_dma source(%dma_start3A_43 : memref<2x4x512xi32, #tpu.memory_space<hbm>>) target(%arg13 : memref<2x4x512xi32, #tpu.memory_space<vmem>>) target_semaphore(%arg21 : memref<!tpu.dma_semaphore, #tpu.memory_space<semaphore_mem>>)
    %dma_start3A_44 = arith.constant 0 : i32
    %dma_start3A_45 = tpu.memref_slice %arg7[%arg1, %dma_start3A_44] : memref<16x512xf32, #tpu.memory_space<hbm>> -> memref<1x512xf32, #tpu.memory_space<hbm>>
    %dma_start3A_46 = tpu.memref_squeeze %dma_start3A_45 : memref<1x512xf32, #tpu.memory_space<hbm>> -> memref<512xf32, #tpu.memory_space<hbm>>
    %dma_start3A_47 = arith.constant 0 : i32
    %dma_start3A_48 = tpu.memref_slice %arg7[%arg1, %dma_start3A_47] : memref<16x512xf32, #tpu.memory_space<hbm>> -> memref<1x512xf32, #tpu.memory_space<hbm>>
    %dma_start3A_49 = tpu.memref_squeeze %dma_start3A_48 : memref<1x512xf32, #tpu.memory_space<hbm>> -> memref<512xf32, #tpu.memory_space<hbm>>
    tpu.enqueue_dma source(%dma_start3A_49 : memref<512xf32, #tpu.memory_space<hbm>>) target(%arg15 : memref<512xf32, #tpu.memory_space<vmem>>) target_semaphore(%arg21 : memref<!tpu.dma_semaphore, #tpu.memory_space<semaphore_mem>>)
    %dma_start3A_50 = arith.constant 0 : i32
    %dma_start3A_51 = arith.constant 0 : i32
    %dma_start3A_52 = tpu.memref_slice %arg8[%arg1, %dma_start3A_50, %dma_start3A_51] : memref<16x2x512xf32, #tpu.memory_space<hbm>> -> memref<1x2x512xf32, #tpu.memory_space<hbm>>
    %dma_start3A_53 = tpu.memref_squeeze %dma_start3A_52 : memref<1x2x512xf32, #tpu.memory_space<hbm>> -> memref<2x512xf32, #tpu.memory_space<hbm>>
    %dma_start3A_54 = arith.constant 0 : i32
    %dma_start3A_55 = arith.constant 0 : i32
    %dma_start3A_56 = tpu.memref_slice %arg8[%arg1, %dma_start3A_54, %dma_start3A_55] : memref<16x2x512xf32, #tpu.memory_space<hbm>> -> memref<1x2x512xf32, #tpu.memory_space<hbm>>
    %dma_start3A_57 = tpu.memref_squeeze %dma_start3A_56 : memref<1x2x512xf32, #tpu.memory_space<hbm>> -> memref<2x512xf32, #tpu.memory_space<hbm>>
    tpu.enqueue_dma source(%dma_start3A_57 : memref<2x512xf32, #tpu.memory_space<hbm>>) target(%arg16 : memref<2x512xf32, #tpu.memory_space<vmem>>) target_semaphore(%arg21 : memref<!tpu.dma_semaphore, #tpu.memory_space<semaphore_mem>>)
    %dma_wait3A = arith.constant 0 : i32
    %dma_wait3A_58 = arith.constant 0 : i32
    %dma_wait3A_59 = arith.constant 0 : i32
    %dma_wait3A_60 = tpu.memref_slice %arg2[%arg1, %dma_wait3A, %dma_wait3A_58, %dma_wait3A_59] : memref<16x1x128x128xf32, #tpu.memory_space<hbm>> -> memref<1x1x128x128xf32, #tpu.memory_space<hbm>>
    %dma_wait3A_61 = tpu.memref_squeeze %dma_wait3A_60 : memref<1x1x128x128xf32, #tpu.memory_space<hbm>> -> memref<128x128xf32, #tpu.memory_space<hbm>>
    %dma_wait3A_62 = arith.constant 0 : i32
    %dma_wait3A_63 = arith.constant 0 : i32
    %dma_wait3A_64 = tpu.memref_slice %arg2[%arg1, %dma_wait3A, %dma_wait3A_62, %dma_wait3A_63] : memref<16x1x128x128xf32, #tpu.memory_space<hbm>> -> memref<1x1x128x128xf32, #tpu.memory_space<hbm>>
    %dma_wait3A_65 = tpu.memref_squeeze %dma_wait3A_64 : memref<1x1x128x128xf32, #tpu.memory_space<hbm>> -> memref<128x128xf32, #tpu.memory_space<hbm>>
    tpu.wait_dma2 semaphore(%arg20 : memref<!tpu.dma_semaphore, #tpu.memory_space<semaphore_mem>>) src(%dma_wait3A_65 : memref<128x128xf32, #tpu.memory_space<hbm>>) dst(%arg10 : memref<128x128xf32, #tpu.memory_space<vmem>>)
    %dma_wait3A_66 = arith.constant 0 : i32
    %dma_wait3A_67 = arith.constant 0 : i32
    %dma_wait3A_68 = arith.constant 0 : i32
    %dma_wait3A_69 = tpu.memref_slice %arg3[%arg1, %dma_wait3A_66, %dma_wait3A_67, %dma_wait3A_68] : memref<16x2x128x128xf32, #tpu.memory_space<hbm>> -> memref<1x2x128x128xf32, #tpu.memory_space<hbm>>
    %dma_wait3A_70 = tpu.memref_squeeze %dma_wait3A_69 : memref<1x2x128x128xf32, #tpu.memory_space<hbm>> -> memref<2x128x128xf32, #tpu.memory_space<hbm>>
    %dma_wait3A_71 = arith.constant 0 : i32
    %dma_wait3A_72 = arith.constant 0 : i32
    %dma_wait3A_73 = arith.constant 0 : i32
    %dma_wait3A_74 = tpu.memref_slice %arg3[%arg1, %dma_wait3A_71, %dma_wait3A_72, %dma_wait3A_73] : memref<16x2x128x128xf32, #tpu.memory_space<hbm>> -> memref<1x2x128x128xf32, #tpu.memory_space<hbm>>
    %dma_wait3A_75 = tpu.memref_squeeze %dma_wait3A_74 : memref<1x2x128x128xf32, #tpu.memory_space<hbm>> -> memref<2x128x128xf32, #tpu.memory_space<hbm>>
    tpu.wait_dma2 semaphore(%arg20 : memref<!tpu.dma_semaphore, #tpu.memory_space<semaphore_mem>>) src(%dma_wait3A_75 : memref<2x128x128xf32, #tpu.memory_space<hbm>>) dst(%arg11 : memref<2x128x128xf32, #tpu.memory_space<vmem>>)
    %dma_wait3A_76 = arith.constant 0 : i32
    %dma_wait3A_77 = arith.constant 0 : i32
    %dma_wait3A_78 = tpu.memref_slice %arg4[%arg1, %dma_wait3A_76, %dma_wait3A_77] : memref<16x4x512xi32, #tpu.memory_space<hbm>> -> memref<1x4x512xi32, #tpu.memory_space<hbm>>
    %dma_wait3A_79 = tpu.memref_squeeze %dma_wait3A_78 : memref<1x4x512xi32, #tpu.memory_space<hbm>> -> memref<4x512xi32, #tpu.memory_space<hbm>>
    %dma_wait3A_80 = arith.constant 0 : i32
    %dma_wait3A_81 = arith.constant 0 : i32
    %dma_wait3A_82 = tpu.memref_slice %arg4[%arg1, %dma_wait3A_80, %dma_wait3A_81] : memref<16x4x512xi32, #tpu.memory_space<hbm>> -> memref<1x4x512xi32, #tpu.memory_space<hbm>>
    %dma_wait3A_83 = tpu.memref_squeeze %dma_wait3A_82 : memref<1x4x512xi32, #tpu.memory_space<hbm>> -> memref<4x512xi32, #tpu.memory_space<hbm>>
    tpu.wait_dma2 semaphore(%arg20 : memref<!tpu.dma_semaphore, #tpu.memory_space<semaphore_mem>>) src(%dma_wait3A_83 : memref<4x512xi32, #tpu.memory_space<hbm>>) dst(%arg12 : memref<4x512xi32, #tpu.memory_space<vmem>>)
    %dma_wait3A_84 = arith.constant 0 : i32
    %dma_wait3A_85 = arith.constant 0 : i32
    %dma_wait3A_86 = tpu.memref_slice %arg6[%arg1, %dma_wait3A_84, %dma_wait3A_85] : memref<16x4x512xf32, #tpu.memory_space<hbm>> -> memref<1x4x512xf32, #tpu.memory_space<hbm>>
    %dma_wait3A_87 = tpu.memref_squeeze %dma_wait3A_86 : memref<1x4x512xf32, #tpu.memory_space<hbm>> -> memref<4x512xf32, #tpu.memory_space<hbm>>
    %dma_wait3A_88 = arith.constant 0 : i32
    %dma_wait3A_89 = arith.constant 0 : i32
    %dma_wait3A_90 = tpu.memref_slice %arg6[%arg1, %dma_wait3A_88, %dma_wait3A_89] : memref<16x4x512xf32, #tpu.memory_space<hbm>> -> memref<1x4x512xf32, #tpu.memory_space<hbm>>
    %dma_wait3A_91 = tpu.memref_squeeze %dma_wait3A_90 : memref<1x4x512xf32, #tpu.memory_space<hbm>> -> memref<4x512xf32, #tpu.memory_space<hbm>>
    tpu.wait_dma2 semaphore(%arg20 : memref<!tpu.dma_semaphore, #tpu.memory_space<semaphore_mem>>) src(%dma_wait3A_91 : memref<4x512xf32, #tpu.memory_space<hbm>>) dst(%arg14 : memref<4x512xf32, #tpu.memory_space<vmem>>)
    %iota3A = tpu.iota {dimensions = array<i32: 0>} : vector<16xi32>
    %broadcast_in_dim3A = arith.constant 0.000000e+00 : f32
    %broadcast_in_dim3A_92 = vector.broadcast %broadcast_in_dim3A : f32 to vector<16xf32>
    %broadcast_in_dim3A_93 = arith.constant 0 : i32
    %broadcast_in_dim3A_94 = vector.broadcast %broadcast_in_dim3A_93 : i32 to vector<16xi32>
    %add3A = arith.constant 1 : i32
    %add3A_95 = vector.broadcast %add3A : i32 to vector<16xi32>
    %add3A_96 = arith.addi %broadcast_in_dim3A_94, %add3A_95 : vector<16xi32>
    %scan3A = arith.constant 0 : i32
    %scan3A_97 = arith.constant 32 : i32
    %scan3A_98 = arith.addi %scan3A, %scan3A_97 : i32
    %scan3A_99 = arith.constant 1 : i32
    %scan3A_100:2 = scf.for %scan3A_149 = %scan3A to %scan3A_98 step %scan3A_99 iter_args(%scan3A_150 = %broadcast_in_dim3A_92, %scan3A_151 = %broadcast_in_dim3A_92) -> (vector<16xf32>, vector<16xf32>)  : i32 {
      %mul3A = arith.constant 16 : i32
      %mul3A_152 = arith.muli %scan3A_149, %mul3A : i32
      %add3A_153 = vector.broadcast %mul3A_152 : i32 to vector<16xi32>
      %add3A_154 = arith.addi %add3A_153, %iota3A : vector<16xi32>
      %add3A_155 = arith.constant 0 : i32
      %add3A_156 = vector.broadcast %add3A_155 : i32 to vector<16xi32>
      %add3A_157 = arith.addi %broadcast_in_dim3A_94, %add3A_156 : vector<16xi32>
      %gather3A = tpu.vector_load_idx %arg12[%add3A_157, %add3A_154] : memref<4x512xi32, #tpu.memory_space<vmem>>[vector<16xi32>, vector<16xi32>], vector<16xi32>,
      %shift_right_arithmetic3A = arith.constant 7 : i32
      %shift_right_arithmetic3A_158 = vector.broadcast %shift_right_arithmetic3A : i32 to vector<16xi32>
      %shift_right_arithmetic3A_159 = arith.shrsi %gather3A, %shift_right_arithmetic3A_158 : vector<16xi32>
      %and3A = arith.constant 127 : i32
      %and3A_160 = vector.broadcast %and3A : i32 to vector<16xi32>
      %and3A_161 = arith.andi %gather3A, %and3A_160 : vector<16xi32>
      %gather3A_162 = tpu.vector_load_idx %arg10[%shift_right_arithmetic3A_159, %and3A_161] : memref<128x128xf32, #tpu.memory_space<vmem>>[vector<16xi32>, vector<16xi32>], vector<16xf32>,
      %shift_right_arithmetic3A_163 = arith.constant 7 : i32
      %shift_right_arithmetic3A_164 = vector.broadcast %shift_right_arithmetic3A_163 : i32 to vector<16xi32>
      %shift_right_arithmetic3A_165 = arith.shrsi %gather3A, %shift_right_arithmetic3A_164 : vector<16xi32>
      %and3A_166 = arith.constant 127 : i32
      %and3A_167 = vector.broadcast %and3A_166 : i32 to vector<16xi32>
      %and3A_168 = arith.andi %gather3A, %and3A_167 : vector<16xi32>
      %gather3A_169 = tpu.vector_load_idx %arg11[%broadcast_in_dim3A_94, %shift_right_arithmetic3A_165, %and3A_168] : memref<2x128x128xf32, #tpu.memory_space<vmem>>[vector<16xi32>, vector<16xi32>, vector<16xi32>], vector<16xf32>,
      %add3A_170 = arith.constant 0.000000e+00 : f32
      %add3A_171 = vector.broadcast %add3A_170 : f32 to vector<16xf32>
      %add3A_172 = arith.addf %gather3A_169, %add3A_171 : vector<16xf32>
      %shift_right_arithmetic3A_173 = arith.constant 7 : i32
      %shift_right_arithmetic3A_174 = vector.broadcast %shift_right_arithmetic3A_173 : i32 to vector<16xi32>
      %shift_right_arithmetic3A_175 = arith.shrsi %gather3A, %shift_right_arithmetic3A_174 : vector<16xi32>
      %and3A_176 = arith.constant 127 : i32
      %and3A_177 = vector.broadcast %and3A_176 : i32 to vector<16xi32>
      %and3A_178 = arith.andi %gather3A, %and3A_177 : vector<16xi32>
      %gather3A_179 = tpu.vector_load_idx %arg11[%add3A_96, %shift_right_arithmetic3A_175, %and3A_178] : memref<2x128x128xf32, #tpu.memory_space<vmem>>[vector<16xi32>, vector<16xi32>, vector<16xi32>], vector<16xf32>,
      %add3A_180 = arith.constant 0.000000e+00 : f32
      %add3A_181 = vector.broadcast %add3A_180 : f32 to vector<16xf32>
      %add3A_182 = arith.addf %gather3A_179, %add3A_181 : vector<16xf32>
      %gather3A_183 = tpu.vector_load_idx %arg14[%add3A_157, %add3A_154] : memref<4x512xf32, #tpu.memory_space<vmem>>[vector<16xi32>, vector<16xi32>], vector<16xf32>,
      %add3A_184 = arith.constant 1 : i32
      %add3A_185 = vector.broadcast %add3A_184 : i32 to vector<16xi32>
      %add3A_186 = arith.addi %broadcast_in_dim3A_94, %add3A_185 : vector<16xi32>
      %gather3A_187 = tpu.vector_load_idx %arg12[%add3A_186, %add3A_154] : memref<4x512xi32, #tpu.memory_space<vmem>>[vector<16xi32>, vector<16xi32>], vector<16xi32>,
      %shift_right_arithmetic3A_188 = arith.constant 7 : i32
      %shift_right_arithmetic3A_189 = vector.broadcast %shift_right_arithmetic3A_188 : i32 to vector<16xi32>
      %shift_right_arithmetic3A_190 = arith.shrsi %gather3A_187, %shift_right_arithmetic3A_189 : vector<16xi32>
      %and3A_191 = arith.constant 127 : i32
      %and3A_192 = vector.broadcast %and3A_191 : i32 to vector<16xi32>
      %and3A_193 = arith.andi %gather3A_187, %and3A_192 : vector<16xi32>
      %gather3A_194 = tpu.vector_load_idx %arg10[%shift_right_arithmetic3A_190, %and3A_193] : memref<128x128xf32, #tpu.memory_space<vmem>>[vector<16xi32>, vector<16xi32>], vector<16xf32>,
      %shift_right_arithmetic3A_195 = arith.constant 7 : i32
      %shift_right_arithmetic3A_196 = vector.broadcast %shift_right_arithmetic3A_195 : i32 to vector<16xi32>
      %shift_right_arithmetic3A_197 = arith.shrsi %gather3A_187, %shift_right_arithmetic3A_196 : vector<16xi32>
      %and3A_198 = arith.constant 127 : i32
      %and3A_199 = vector.broadcast %and3A_198 : i32 to vector<16xi32>
      %and3A_200 = arith.andi %gather3A_187, %and3A_199 : vector<16xi32>
      %gather3A_201 = tpu.vector_load_idx %arg11[%broadcast_in_dim3A_94, %shift_right_arithmetic3A_197, %and3A_200] : memref<2x128x128xf32, #tpu.memory_space<vmem>>[vector<16xi32>, vector<16xi32>, vector<16xi32>], vector<16xf32>,
      %add3A_202 = arith.constant 1.000000e+00 : f32
      %add3A_203 = vector.broadcast %add3A_202 : f32 to vector<16xf32>
      %add3A_204 = arith.addf %gather3A_201, %add3A_203 : vector<16xf32>
      %shift_right_arithmetic3A_205 = arith.constant 7 : i32
      %shift_right_arithmetic3A_206 = vector.broadcast %shift_right_arithmetic3A_205 : i32 to vector<16xi32>
      %shift_right_arithmetic3A_207 = arith.shrsi %gather3A_187, %shift_right_arithmetic3A_206 : vector<16xi32>
      %and3A_208 = arith.constant 127 : i32
      %and3A_209 = vector.broadcast %and3A_208 : i32 to vector<16xi32>
      %and3A_210 = arith.andi %gather3A_187, %and3A_209 : vector<16xi32>
      %gather3A_211 = tpu.vector_load_idx %arg11[%add3A_96, %shift_right_arithmetic3A_207, %and3A_210] : memref<2x128x128xf32, #tpu.memory_space<vmem>>[vector<16xi32>, vector<16xi32>, vector<16xi32>], vector<16xf32>,
      %add3A_212 = arith.constant 0.000000e+00 : f32
      %add3A_213 = vector.broadcast %add3A_212 : f32 to vector<16xf32>
      %add3A_214 = arith.addf %gather3A_211, %add3A_213 : vector<16xf32>
      %gather3A_215 = tpu.vector_load_idx %arg14[%add3A_186, %add3A_154] : memref<4x512xf32, #tpu.memory_space<vmem>>[vector<16xi32>, vector<16xi32>], vector<16xf32>,
      %add3A_216 = arith.constant 2 : i32
      %add3A_217 = vector.broadcast %add3A_216 : i32 to vector<16xi32>
      %add3A_218 = arith.addi %broadcast_in_dim3A_94, %add3A_217 : vector<16xi32>
      %gather3A_219 = tpu.vector_load_idx %arg12[%add3A_218, %add3A_154] : memref<4x512xi32, #tpu.memory_space<vmem>>[vector<16xi32>, vector<16xi32>], vector<16xi32>,
      %shift_right_arithmetic3A_220 = arith.constant 7 : i32
      %shift_right_arithmetic3A_221 = vector.broadcast %shift_right_arithmetic3A_220 : i32 to vector<16xi32>
      %shift_right_arithmetic3A_222 = arith.shrsi %gather3A_219, %shift_right_arithmetic3A_221 : vector<16xi32>
      %and3A_223 = arith.constant 127 : i32
      %and3A_224 = vector.broadcast %and3A_223 : i32 to vector<16xi32>
      %and3A_225 = arith.andi %gather3A_219, %and3A_224 : vector<16xi32>
      %gather3A_226 = tpu.vector_load_idx %arg10[%shift_right_arithmetic3A_222, %and3A_225] : memref<128x128xf32, #tpu.memory_space<vmem>>[vector<16xi32>, vector<16xi32>], vector<16xf32>,
      %shift_right_arithmetic3A_227 = arith.constant 7 : i32
      %shift_right_arithmetic3A_228 = vector.broadcast %shift_right_arithmetic3A_227 : i32 to vector<16xi32>
      %shift_right_arithmetic3A_229 = arith.shrsi %gather3A_219, %shift_right_arithmetic3A_228 : vector<16xi32>
      %and3A_230 = arith.constant 127 : i32
      %and3A_231 = vector.broadcast %and3A_230 : i32 to vector<16xi32>
      %and3A_232 = arith.andi %gather3A_219, %and3A_231 : vector<16xi32>
      %gather3A_233 = tpu.vector_load_idx %arg11[%broadcast_in_dim3A_94, %shift_right_arithmetic3A_229, %and3A_232] : memref<2x128x128xf32, #tpu.memory_space<vmem>>[vector<16xi32>, vector<16xi32>, vector<16xi32>], vector<16xf32>,
      %add3A_234 = arith.constant 0.000000e+00 : f32
      %add3A_235 = vector.broadcast %add3A_234 : f32 to vector<16xf32>
      %add3A_236 = arith.addf %gather3A_233, %add3A_235 : vector<16xf32>
      %shift_right_arithmetic3A_237 = arith.constant 7 : i32
      %shift_right_arithmetic3A_238 = vector.broadcast %shift_right_arithmetic3A_237 : i32 to vector<16xi32>
      %shift_right_arithmetic3A_239 = arith.shrsi %gather3A_219, %shift_right_arithmetic3A_238 : vector<16xi32>
      %and3A_240 = arith.constant 127 : i32
      %and3A_241 = vector.broadcast %and3A_240 : i32 to vector<16xi32>
      %and3A_242 = arith.andi %gather3A_219, %and3A_241 : vector<16xi32>
      %gather3A_243 = tpu.vector_load_idx %arg11[%add3A_96, %shift_right_arithmetic3A_239, %and3A_242] : memref<2x128x128xf32, #tpu.memory_space<vmem>>[vector<16xi32>, vector<16xi32>, vector<16xi32>], vector<16xf32>,
      %add3A_244 = arith.constant 1.000000e+00 : f32
      %add3A_245 = vector.broadcast %add3A_244 : f32 to vector<16xf32>
      %add3A_246 = arith.addf %gather3A_243, %add3A_245 : vector<16xf32>
      %gather3A_247 = tpu.vector_load_idx %arg14[%add3A_218, %add3A_154] : memref<4x512xf32, #tpu.memory_space<vmem>>[vector<16xi32>, vector<16xi32>], vector<16xf32>,
      %add3A_248 = arith.constant 3 : i32
      %add3A_249 = vector.broadcast %add3A_248 : i32 to vector<16xi32>
      %add3A_250 = arith.addi %broadcast_in_dim3A_94, %add3A_249 : vector<16xi32>
      %gather3A_251 = tpu.vector_load_idx %arg12[%add3A_250, %add3A_154] : memref<4x512xi32, #tpu.memory_space<vmem>>[vector<16xi32>, vector<16xi32>], vector<16xi32>,
      %shift_right_arithmetic3A_252 = arith.constant 7 : i32
      %shift_right_arithmetic3A_253 = vector.broadcast %shift_right_arithmetic3A_252 : i32 to vector<16xi32>
      %shift_right_arithmetic3A_254 = arith.shrsi %gather3A_251, %shift_right_arithmetic3A_253 : vector<16xi32>
      %and3A_255 = arith.constant 127 : i32
      %and3A_256 = vector.broadcast %and3A_255 : i32 to vector<16xi32>
      %and3A_257 = arith.andi %gather3A_251, %and3A_256 : vector<16xi32>
      %gather3A_258 = tpu.vector_load_idx %arg10[%shift_right_arithmetic3A_254, %and3A_257] : memref<128x128xf32, #tpu.memory_space<vmem>>[vector<16xi32>, vector<16xi32>], vector<16xf32>,
      %shift_right_arithmetic3A_259 = arith.constant 7 : i32
      %shift_right_arithmetic3A_260 = vector.broadcast %shift_right_arithmetic3A_259 : i32 to vector<16xi32>
      %shift_right_arithmetic3A_261 = arith.shrsi %gather3A_251, %shift_right_arithmetic3A_260 : vector<16xi32>
      %and3A_262 = arith.constant 127 : i32
      %and3A_263 = vector.broadcast %and3A_262 : i32 to vector<16xi32>
      %and3A_264 = arith.andi %gather3A_251, %and3A_263 : vector<16xi32>
      %gather3A_265 = tpu.vector_load_idx %arg11[%broadcast_in_dim3A_94, %shift_right_arithmetic3A_261, %and3A_264] : memref<2x128x128xf32, #tpu.memory_space<vmem>>[vector<16xi32>, vector<16xi32>, vector<16xi32>], vector<16xf32>,
      %add3A_266 = arith.constant 1.000000e+00 : f32
      %add3A_267 = vector.broadcast %add3A_266 : f32 to vector<16xf32>
      %add3A_268 = arith.addf %gather3A_265, %add3A_267 : vector<16xf32>
      %shift_right_arithmetic3A_269 = arith.constant 7 : i32
      %shift_right_arithmetic3A_270 = vector.broadcast %shift_right_arithmetic3A_269 : i32 to vector<16xi32>
      %shift_right_arithmetic3A_271 = arith.shrsi %gather3A_251, %shift_right_arithmetic3A_270 : vector<16xi32>
      %and3A_272 = arith.constant 127 : i32
      %and3A_273 = vector.broadcast %and3A_272 : i32 to vector<16xi32>
      %and3A_274 = arith.andi %gather3A_251, %and3A_273 : vector<16xi32>
      %gather3A_275 = tpu.vector_load_idx %arg11[%add3A_96, %shift_right_arithmetic3A_271, %and3A_274] : memref<2x128x128xf32, #tpu.memory_space<vmem>>[vector<16xi32>, vector<16xi32>, vector<16xi32>], vector<16xf32>,
      %add3A_276 = arith.constant 1.000000e+00 : f32
      %add3A_277 = vector.broadcast %add3A_276 : f32 to vector<16xf32>
      %add3A_278 = arith.addf %gather3A_275, %add3A_277 : vector<16xf32>
      %gather3A_279 = tpu.vector_load_idx %arg14[%add3A_250, %add3A_154] : memref<4x512xf32, #tpu.memory_space<vmem>>[vector<16xi32>, vector<16xi32>], vector<16xf32>,
      %add3A_280 = arith.addf %gather3A_162, %gather3A_194 : vector<16xf32>
      %add3A_281 = arith.addf %add3A_280, %gather3A_226 : vector<16xf32>
      %add3A_282 = arith.addf %add3A_281, %gather3A_258 : vector<16xf32>
      %mul3A_283 = arith.constant 2.500000e-01 : f32
      %mul3A_284 = vector.broadcast %mul3A_283 : f32 to vector<16xf32>
      %mul3A_285 = arith.mulf %add3A_282, %mul3A_284 : vector<16xf32>
      %add3A_286 = arith.addf %add3A_172, %add3A_204 : vector<16xf32>
      %add3A_287 = arith.addf %add3A_286, %add3A_236 : vector<16xf32>
      %add3A_288 = arith.addf %add3A_287, %add3A_268 : vector<16xf32>
      %mul3A_289 = arith.constant 2.500000e-01 : f32
      %mul3A_290 = vector.broadcast %mul3A_289 : f32 to vector<16xf32>
      %mul3A_291 = arith.mulf %add3A_288, %mul3A_290 : vector<16xf32>
      %add3A_292 = arith.addf %add3A_182, %add3A_214 : vector<16xf32>
      %add3A_293 = arith.addf %add3A_292, %add3A_246 : vector<16xf32>
      %add3A_294 = arith.addf %add3A_293, %add3A_278 : vector<16xf32>
      %mul3A_295 = arith.constant 2.500000e-01 : f32
      %mul3A_296 = vector.broadcast %mul3A_295 : f32 to vector<16xf32>
      %mul3A_297 = arith.mulf %add3A_294, %mul3A_296 : vector<16xf32>
      %exp3A = math.exp %mul3A_285 : vector<16xf32>
      %exp3A_298 = math.exp %gather3A_162 : vector<16xf32>
      %mul3A_299 = arith.mulf %exp3A_298, %exp3A_298 : vector<16xf32>
      %mul3A_300 = arith.constant 4.100000e-01 : f32
      %mul3A_301 = vector.broadcast %mul3A_300 : f32 to vector<16xf32>
      %mul3A_302 = arith.mulf %mul3A_299, %mul3A_301 : vector<16xf32>
      %mul3A_303 = arith.mulf %exp3A, %exp3A : vector<16xf32>
      %mul3A_304 = arith.constant 4.100000e-01 : f32
      %mul3A_305 = vector.broadcast %mul3A_304 : f32 to vector<16xf32>
      %mul3A_306 = arith.mulf %mul3A_303, %mul3A_305 : vector<16xf32>
      %mul3A_307 = arith.constant 5.000000e-01 : f32
      %mul3A_308 = vector.broadcast %mul3A_307 : f32 to vector<16xf32>
      %mul3A_309 = arith.mulf %exp3A_298, %mul3A_308 : vector<16xf32>
      %sub3A = arith.subf %add3A_172, %mul3A_309 : vector<16xf32>
      %mul3A_310 = arith.constant 5.000000e-01 : f32
      %mul3A_311 = vector.broadcast %mul3A_310 : f32 to vector<16xf32>
      %mul3A_312 = arith.mulf %exp3A_298, %mul3A_311 : vector<16xf32>
      %add3A_313 = arith.addf %add3A_172, %mul3A_312 : vector<16xf32>
      %mul3A_314 = arith.constant 4.100000e-01 : f32
      %mul3A_315 = vector.broadcast %mul3A_314 : f32 to vector<16xf32>
      %mul3A_316 = arith.mulf %mul3A_315, %exp3A_298 : vector<16xf32>
      %mul3A_317 = arith.constant 5.000000e-01 : f32
      %mul3A_318 = vector.broadcast %mul3A_317 : f32 to vector<16xf32>
      %mul3A_319 = arith.mulf %mul3A_316, %mul3A_318 : vector<16xf32>
      %sub3A_320 = arith.subf %add3A_182, %mul3A_319 : vector<16xf32>
      %mul3A_321 = arith.constant 4.100000e-01 : f32
      %mul3A_322 = vector.broadcast %mul3A_321 : f32 to vector<16xf32>
      %mul3A_323 = arith.mulf %mul3A_322, %exp3A_298 : vector<16xf32>
      %mul3A_324 = arith.constant 5.000000e-01 : f32
      %mul3A_325 = vector.broadcast %mul3A_324 : f32 to vector<16xf32>
      %mul3A_326 = arith.mulf %mul3A_323, %mul3A_325 : vector<16xf32>
      %add3A_327 = arith.addf %add3A_182, %mul3A_326 : vector<16xf32>
      %mul3A_328 = arith.constant 5.000000e-01 : f32
      %mul3A_329 = vector.broadcast %mul3A_328 : f32 to vector<16xf32>
      %mul3A_330 = arith.mulf %exp3A, %mul3A_329 : vector<16xf32>
      %sub3A_331 = arith.subf %mul3A_291, %mul3A_330 : vector<16xf32>
      %mul3A_332 = arith.constant 5.000000e-01 : f32
      %mul3A_333 = vector.broadcast %mul3A_332 : f32 to vector<16xf32>
      %mul3A_334 = arith.mulf %exp3A, %mul3A_333 : vector<16xf32>
      %add3A_335 = arith.addf %mul3A_291, %mul3A_334 : vector<16xf32>
      %mul3A_336 = arith.constant 4.100000e-01 : f32
      %mul3A_337 = vector.broadcast %mul3A_336 : f32 to vector<16xf32>
      %mul3A_338 = arith.mulf %mul3A_337, %exp3A : vector<16xf32>
      %mul3A_339 = arith.constant 5.000000e-01 : f32
      %mul3A_340 = vector.broadcast %mul3A_339 : f32 to vector<16xf32>
      %mul3A_341 = arith.mulf %mul3A_338, %mul3A_340 : vector<16xf32>
      %sub3A_342 = arith.subf %mul3A_297, %mul3A_341 : vector<16xf32>
      %mul3A_343 = arith.constant 4.100000e-01 : f32
      %mul3A_344 = vector.broadcast %mul3A_343 : f32 to vector<16xf32>
      %mul3A_345 = arith.mulf %mul3A_344, %exp3A : vector<16xf32>
      %mul3A_346 = arith.constant 5.000000e-01 : f32
      %mul3A_347 = vector.broadcast %mul3A_346 : f32 to vector<16xf32>
      %mul3A_348 = arith.mulf %mul3A_345, %mul3A_347 : vector<16xf32>
      %add3A_349 = arith.addf %mul3A_297, %mul3A_348 : vector<16xf32>
      %min3A = arith.minimumf %add3A_313, %add3A_335 : vector<16xf32>
      %max3A = arith.maximumf %sub3A, %sub3A_331 : vector<16xf32>
      %sub3A_350 = arith.subf %min3A, %max3A : vector<16xf32>
      %max3A_351 = arith.constant 0.000000e+00 : f32
      %max3A_352 = vector.broadcast %max3A_351 : f32 to vector<16xf32>
      %max3A_353 = arith.maximumf %sub3A_350, %max3A_352 : vector<16xf32>
      %min3A_354 = arith.minimumf %add3A_327, %add3A_349 : vector<16xf32>
      %max3A_355 = arith.maximumf %sub3A_320, %sub3A_342 : vector<16xf32>
      %sub3A_356 = arith.subf %min3A_354, %max3A_355 : vector<16xf32>
      %max3A_357 = arith.constant 0.000000e+00 : f32
      %max3A_358 = vector.broadcast %max3A_357 : f32 to vector<16xf32>
      %max3A_359 = arith.maximumf %sub3A_356, %max3A_358 : vector<16xf32>
      %mul3A_360 = arith.mulf %max3A_353, %max3A_359 : vector<16xf32>
      %add3A_361 = arith.addf %mul3A_302, %mul3A_306 : vector<16xf32>
      %sub3A_362 = arith.subf %add3A_361, %mul3A_360 : vector<16xf32>
      %add3A_363 = arith.constant 9.99999997E-7 : f32
      %add3A_364 = vector.broadcast %add3A_363 : f32 to vector<16xf32>
      %add3A_365 = arith.addf %sub3A_362, %add3A_364 : vector<16xf32>
      %div3A = arith.divf %mul3A_360, %add3A_365 : vector<16xf32>
      %sub3A_366 = arith.constant 1.000000e+00 : f32
      %sub3A_367 = vector.broadcast %sub3A_366 : f32 to vector<16xf32>
      %sub3A_368 = arith.subf %sub3A_367, %div3A : vector<16xf32>
      %mul3A_369 = arith.mulf %gather3A_183, %sub3A_368 : vector<16xf32>
      %add3A_370 = arith.addf %scan3A_150, %mul3A_369 : vector<16xf32>
      %add3A_371 = arith.addf %scan3A_151, %gather3A_183 : vector<16xf32>
      %exp3A_372 = math.exp %gather3A_194 : vector<16xf32>
      %mul3A_373 = arith.mulf %exp3A_372, %exp3A_372 : vector<16xf32>
      %mul3A_374 = arith.constant 4.100000e-01 : f32
      %mul3A_375 = vector.broadcast %mul3A_374 : f32 to vector<16xf32>
      %mul3A_376 = arith.mulf %mul3A_373, %mul3A_375 : vector<16xf32>
      %mul3A_377 = arith.mulf %exp3A, %exp3A : vector<16xf32>
      %mul3A_378 = arith.constant 4.100000e-01 : f32
      %mul3A_379 = vector.broadcast %mul3A_378 : f32 to vector<16xf32>
      %mul3A_380 = arith.mulf %mul3A_377, %mul3A_379 : vector<16xf32>
      %mul3A_381 = arith.constant 5.000000e-01 : f32
      %mul3A_382 = vector.broadcast %mul3A_381 : f32 to vector<16xf32>
      %mul3A_383 = arith.mulf %exp3A_372, %mul3A_382 : vector<16xf32>
      %sub3A_384 = arith.subf %add3A_204, %mul3A_383 : vector<16xf32>
      %mul3A_385 = arith.constant 5.000000e-01 : f32
      %mul3A_386 = vector.broadcast %mul3A_385 : f32 to vector<16xf32>
      %mul3A_387 = arith.mulf %exp3A_372, %mul3A_386 : vector<16xf32>
      %add3A_388 = arith.addf %add3A_204, %mul3A_387 : vector<16xf32>
      %mul3A_389 = arith.constant 4.100000e-01 : f32
      %mul3A_390 = vector.broadcast %mul3A_389 : f32 to vector<16xf32>
      %mul3A_391 = arith.mulf %mul3A_390, %exp3A_372 : vector<16xf32>
      %mul3A_392 = arith.constant 5.000000e-01 : f32
      %mul3A_393 = vector.broadcast %mul3A_392 : f32 to vector<16xf32>
      %mul3A_394 = arith.mulf %mul3A_391, %mul3A_393 : vector<16xf32>
      %sub3A_395 = arith.subf %add3A_214, %mul3A_394 : vector<16xf32>
      %mul3A_396 = arith.constant 4.100000e-01 : f32
      %mul3A_397 = vector.broadcast %mul3A_396 : f32 to vector<16xf32>
      %mul3A_398 = arith.mulf %mul3A_397, %exp3A_372 : vector<16xf32>
      %mul3A_399 = arith.constant 5.000000e-01 : f32
      %mul3A_400 = vector.broadcast %mul3A_399 : f32 to vector<16xf32>
      %mul3A_401 = arith.mulf %mul3A_398, %mul3A_400 : vector<16xf32>
      %add3A_402 = arith.addf %add3A_214, %mul3A_401 : vector<16xf32>
      %mul3A_403 = arith.constant 5.000000e-01 : f32
      %mul3A_404 = vector.broadcast %mul3A_403 : f32 to vector<16xf32>
      %mul3A_405 = arith.mulf %exp3A, %mul3A_404 : vector<16xf32>
      %sub3A_406 = arith.subf %mul3A_291, %mul3A_405 : vector<16xf32>
      %mul3A_407 = arith.constant 5.000000e-01 : f32
      %mul3A_408 = vector.broadcast %mul3A_407 : f32 to vector<16xf32>
      %mul3A_409 = arith.mulf %exp3A, %mul3A_408 : vector<16xf32>
      %add3A_410 = arith.addf %mul3A_291, %mul3A_409 : vector<16xf32>
      %mul3A_411 = arith.constant 4.100000e-01 : f32
      %mul3A_412 = vector.broadcast %mul3A_411 : f32 to vector<16xf32>
      %mul3A_413 = arith.mulf %mul3A_412, %exp3A : vector<16xf32>
      %mul3A_414 = arith.constant 5.000000e-01 : f32
      %mul3A_415 = vector.broadcast %mul3A_414 : f32 to vector<16xf32>
      %mul3A_416 = arith.mulf %mul3A_413, %mul3A_415 : vector<16xf32>
      %sub3A_417 = arith.subf %mul3A_297, %mul3A_416 : vector<16xf32>
      %mul3A_418 = arith.constant 4.100000e-01 : f32
      %mul3A_419 = vector.broadcast %mul3A_418 : f32 to vector<16xf32>
      %mul3A_420 = arith.mulf %mul3A_419, %exp3A : vector<16xf32>
      %mul3A_421 = arith.constant 5.000000e-01 : f32
      %mul3A_422 = vector.broadcast %mul3A_421 : f32 to vector<16xf32>
      %mul3A_423 = arith.mulf %mul3A_420, %mul3A_422 : vector<16xf32>
      %add3A_424 = arith.addf %mul3A_297, %mul3A_423 : vector<16xf32>
      %min3A_425 = arith.minimumf %add3A_388, %add3A_410 : vector<16xf32>
      %max3A_426 = arith.maximumf %sub3A_384, %sub3A_406 : vector<16xf32>
      %sub3A_427 = arith.subf %min3A_425, %max3A_426 : vector<16xf32>
      %max3A_428 = arith.constant 0.000000e+00 : f32
      %max3A_429 = vector.broadcast %max3A_428 : f32 to vector<16xf32>
      %max3A_430 = arith.maximumf %sub3A_427, %max3A_429 : vector<16xf32>
      %min3A_431 = arith.minimumf %add3A_402, %add3A_424 : vector<16xf32>
      %max3A_432 = arith.maximumf %sub3A_395, %sub3A_417 : vector<16xf32>
      %sub3A_433 = arith.subf %min3A_431, %max3A_432 : vector<16xf32>
      %max3A_434 = arith.constant 0.000000e+00 : f32
      %max3A_435 = vector.broadcast %max3A_434 : f32 to vector<16xf32>
      %max3A_436 = arith.maximumf %sub3A_433, %max3A_435 : vector<16xf32>
      %mul3A_437 = arith.mulf %max3A_430, %max3A_436 : vector<16xf32>
      %add3A_438 = arith.addf %mul3A_376, %mul3A_380 : vector<16xf32>
      %sub3A_439 = arith.subf %add3A_438, %mul3A_437 : vector<16xf32>
      %add3A_440 = arith.constant 9.99999997E-7 : f32
      %add3A_441 = vector.broadcast %add3A_440 : f32 to vector<16xf32>
      %add3A_442 = arith.addf %sub3A_439, %add3A_441 : vector<16xf32>
      %div3A_443 = arith.divf %mul3A_437, %add3A_442 : vector<16xf32>
      %sub3A_444 = arith.constant 1.000000e+00 : f32
      %sub3A_445 = vector.broadcast %sub3A_444 : f32 to vector<16xf32>
      %sub3A_446 = arith.subf %sub3A_445, %div3A_443 : vector<16xf32>
      %mul3A_447 = arith.mulf %gather3A_215, %sub3A_446 : vector<16xf32>
      %add3A_448 = arith.addf %add3A_370, %mul3A_447 : vector<16xf32>
      %add3A_449 = arith.addf %add3A_371, %gather3A_215 : vector<16xf32>
      %exp3A_450 = math.exp %gather3A_226 : vector<16xf32>
      %mul3A_451 = arith.mulf %exp3A_450, %exp3A_450 : vector<16xf32>
      %mul3A_452 = arith.constant 4.100000e-01 : f32
      %mul3A_453 = vector.broadcast %mul3A_452 : f32 to vector<16xf32>
      %mul3A_454 = arith.mulf %mul3A_451, %mul3A_453 : vector<16xf32>
      %mul3A_455 = arith.mulf %exp3A, %exp3A : vector<16xf32>
      %mul3A_456 = arith.constant 4.100000e-01 : f32
      %mul3A_457 = vector.broadcast %mul3A_456 : f32 to vector<16xf32>
      %mul3A_458 = arith.mulf %mul3A_455, %mul3A_457 : vector<16xf32>
      %mul3A_459 = arith.constant 5.000000e-01 : f32
      %mul3A_460 = vector.broadcast %mul3A_459 : f32 to vector<16xf32>
      %mul3A_461 = arith.mulf %exp3A_450, %mul3A_460 : vector<16xf32>
      %sub3A_462 = arith.subf %add3A_236, %mul3A_461 : vector<16xf32>
      %mul3A_463 = arith.constant 5.000000e-01 : f32
      %mul3A_464 = vector.broadcast %mul3A_463 : f32 to vector<16xf32>
      %mul3A_465 = arith.mulf %exp3A_450, %mul3A_464 : vector<16xf32>
      %add3A_466 = arith.addf %add3A_236, %mul3A_465 : vector<16xf32>
      %mul3A_467 = arith.constant 4.100000e-01 : f32
      %mul3A_468 = vector.broadcast %mul3A_467 : f32 to vector<16xf32>
      %mul3A_469 = arith.mulf %mul3A_468, %exp3A_450 : vector<16xf32>
      %mul3A_470 = arith.constant 5.000000e-01 : f32
      %mul3A_471 = vector.broadcast %mul3A_470 : f32 to vector<16xf32>
      %mul3A_472 = arith.mulf %mul3A_469, %mul3A_471 : vector<16xf32>
      %sub3A_473 = arith.subf %add3A_246, %mul3A_472 : vector<16xf32>
      %mul3A_474 = arith.constant 4.100000e-01 : f32
      %mul3A_475 = vector.broadcast %mul3A_474 : f32 to vector<16xf32>
      %mul3A_476 = arith.mulf %mul3A_475, %exp3A_450 : vector<16xf32>
      %mul3A_477 = arith.constant 5.000000e-01 : f32
      %mul3A_478 = vector.broadcast %mul3A_477 : f32 to vector<16xf32>
      %mul3A_479 = arith.mulf %mul3A_476, %mul3A_478 : vector<16xf32>
      %add3A_480 = arith.addf %add3A_246, %mul3A_479 : vector<16xf32>
      %mul3A_481 = arith.constant 5.000000e-01 : f32
      %mul3A_482 = vector.broadcast %mul3A_481 : f32 to vector<16xf32>
      %mul3A_483 = arith.mulf %exp3A, %mul3A_482 : vector<16xf32>
      %sub3A_484 = arith.subf %mul3A_291, %mul3A_483 : vector<16xf32>
      %mul3A_485 = arith.constant 5.000000e-01 : f32
      %mul3A_486 = vector.broadcast %mul3A_485 : f32 to vector<16xf32>
      %mul3A_487 = arith.mulf %exp3A, %mul3A_486 : vector<16xf32>
      %add3A_488 = arith.addf %mul3A_291, %mul3A_487 : vector<16xf32>
      %mul3A_489 = arith.constant 4.100000e-01 : f32
      %mul3A_490 = vector.broadcast %mul3A_489 : f32 to vector<16xf32>
      %mul3A_491 = arith.mulf %mul3A_490, %exp3A : vector<16xf32>
      %mul3A_492 = arith.constant 5.000000e-01 : f32
      %mul3A_493 = vector.broadcast %mul3A_492 : f32 to vector<16xf32>
      %mul3A_494 = arith.mulf %mul3A_491, %mul3A_493 : vector<16xf32>
      %sub3A_495 = arith.subf %mul3A_297, %mul3A_494 : vector<16xf32>
      %mul3A_496 = arith.constant 4.100000e-01 : f32
      %mul3A_497 = vector.broadcast %mul3A_496 : f32 to vector<16xf32>
      %mul3A_498 = arith.mulf %mul3A_497, %exp3A : vector<16xf32>
      %mul3A_499 = arith.constant 5.000000e-01 : f32
      %mul3A_500 = vector.broadcast %mul3A_499 : f32 to vector<16xf32>
      %mul3A_501 = arith.mulf %mul3A_498, %mul3A_500 : vector<16xf32>
      %add3A_502 = arith.addf %mul3A_297, %mul3A_501 : vector<16xf32>
      %min3A_503 = arith.minimumf %add3A_466, %add3A_488 : vector<16xf32>
      %max3A_504 = arith.maximumf %sub3A_462, %sub3A_484 : vector<16xf32>
      %sub3A_505 = arith.subf %min3A_503, %max3A_504 : vector<16xf32>
      %max3A_506 = arith.constant 0.000000e+00 : f32
      %max3A_507 = vector.broadcast %max3A_506 : f32 to vector<16xf32>
      %max3A_508 = arith.maximumf %sub3A_505, %max3A_507 : vector<16xf32>
      %min3A_509 = arith.minimumf %add3A_480, %add3A_502 : vector<16xf32>
      %max3A_510 = arith.maximumf %sub3A_473, %sub3A_495 : vector<16xf32>
      %sub3A_511 = arith.subf %min3A_509, %max3A_510 : vector<16xf32>
      %max3A_512 = arith.constant 0.000000e+00 : f32
      %max3A_513 = vector.broadcast %max3A_512 : f32 to vector<16xf32>
      %max3A_514 = arith.maximumf %sub3A_511, %max3A_513 : vector<16xf32>
      %mul3A_515 = arith.mulf %max3A_508, %max3A_514 : vector<16xf32>
      %add3A_516 = arith.addf %mul3A_454, %mul3A_458 : vector<16xf32>
      %sub3A_517 = arith.subf %add3A_516, %mul3A_515 : vector<16xf32>
      %add3A_518 = arith.constant 9.99999997E-7 : f32
      %add3A_519 = vector.broadcast %add3A_518 : f32 to vector<16xf32>
      %add3A_520 = arith.addf %sub3A_517, %add3A_519 : vector<16xf32>
      %div3A_521 = arith.divf %mul3A_515, %add3A_520 : vector<16xf32>
      %sub3A_522 = arith.constant 1.000000e+00 : f32
      %sub3A_523 = vector.broadcast %sub3A_522 : f32 to vector<16xf32>
      %sub3A_524 = arith.subf %sub3A_523, %div3A_521 : vector<16xf32>
      %mul3A_525 = arith.mulf %gather3A_247, %sub3A_524 : vector<16xf32>
      %add3A_526 = arith.addf %add3A_448, %mul3A_525 : vector<16xf32>
      %add3A_527 = arith.addf %add3A_449, %gather3A_247 : vector<16xf32>
      %exp3A_528 = math.exp %gather3A_258 : vector<16xf32>
      %mul3A_529 = arith.mulf %exp3A_528, %exp3A_528 : vector<16xf32>
      %mul3A_530 = arith.constant 4.100000e-01 : f32
      %mul3A_531 = vector.broadcast %mul3A_530 : f32 to vector<16xf32>
      %mul3A_532 = arith.mulf %mul3A_529, %mul3A_531 : vector<16xf32>
      %mul3A_533 = arith.mulf %exp3A, %exp3A : vector<16xf32>
      %mul3A_534 = arith.constant 4.100000e-01 : f32
      %mul3A_535 = vector.broadcast %mul3A_534 : f32 to vector<16xf32>
      %mul3A_536 = arith.mulf %mul3A_533, %mul3A_535 : vector<16xf32>
      %mul3A_537 = arith.constant 5.000000e-01 : f32
      %mul3A_538 = vector.broadcast %mul3A_537 : f32 to vector<16xf32>
      %mul3A_539 = arith.mulf %exp3A_528, %mul3A_538 : vector<16xf32>
      %sub3A_540 = arith.subf %add3A_268, %mul3A_539 : vector<16xf32>
      %mul3A_541 = arith.constant 5.000000e-01 : f32
      %mul3A_542 = vector.broadcast %mul3A_541 : f32 to vector<16xf32>
      %mul3A_543 = arith.mulf %exp3A_528, %mul3A_542 : vector<16xf32>
      %add3A_544 = arith.addf %add3A_268, %mul3A_543 : vector<16xf32>
      %mul3A_545 = arith.constant 4.100000e-01 : f32
      %mul3A_546 = vector.broadcast %mul3A_545 : f32 to vector<16xf32>
      %mul3A_547 = arith.mulf %mul3A_546, %exp3A_528 : vector<16xf32>
      %mul3A_548 = arith.constant 5.000000e-01 : f32
      %mul3A_549 = vector.broadcast %mul3A_548 : f32 to vector<16xf32>
      %mul3A_550 = arith.mulf %mul3A_547, %mul3A_549 : vector<16xf32>
      %sub3A_551 = arith.subf %add3A_278, %mul3A_550 : vector<16xf32>
      %mul3A_552 = arith.constant 4.100000e-01 : f32
      %mul3A_553 = vector.broadcast %mul3A_552 : f32 to vector<16xf32>
      %mul3A_554 = arith.mulf %mul3A_553, %exp3A_528 : vector<16xf32>
      %mul3A_555 = arith.constant 5.000000e-01 : f32
      %mul3A_556 = vector.broadcast %mul3A_555 : f32 to vector<16xf32>
      %mul3A_557 = arith.mulf %mul3A_554, %mul3A_556 : vector<16xf32>
      %add3A_558 = arith.addf %add3A_278, %mul3A_557 : vector<16xf32>
      %mul3A_559 = arith.constant 5.000000e-01 : f32
      %mul3A_560 = vector.broadcast %mul3A_559 : f32 to vector<16xf32>
      %mul3A_561 = arith.mulf %exp3A, %mul3A_560 : vector<16xf32>
      %sub3A_562 = arith.subf %mul3A_291, %mul3A_561 : vector<16xf32>
      %mul3A_563 = arith.constant 5.000000e-01 : f32
      %mul3A_564 = vector.broadcast %mul3A_563 : f32 to vector<16xf32>
      %mul3A_565 = arith.mulf %exp3A, %mul3A_564 : vector<16xf32>
      %add3A_566 = arith.addf %mul3A_291, %mul3A_565 : vector<16xf32>
      %mul3A_567 = arith.constant 4.100000e-01 : f32
      %mul3A_568 = vector.broadcast %mul3A_567 : f32 to vector<16xf32>
      %mul3A_569 = arith.mulf %mul3A_568, %exp3A : vector<16xf32>
      %mul3A_570 = arith.constant 5.000000e-01 : f32
      %mul3A_571 = vector.broadcast %mul3A_570 : f32 to vector<16xf32>
      %mul3A_572 = arith.mulf %mul3A_569, %mul3A_571 : vector<16xf32>
      %sub3A_573 = arith.subf %mul3A_297, %mul3A_572 : vector<16xf32>
      %mul3A_574 = arith.constant 4.100000e-01 : f32
      %mul3A_575 = vector.broadcast %mul3A_574 : f32 to vector<16xf32>
      %mul3A_576 = arith.mulf %mul3A_575, %exp3A : vector<16xf32>
      %mul3A_577 = arith.constant 5.000000e-01 : f32
      %mul3A_578 = vector.broadcast %mul3A_577 : f32 to vector<16xf32>
      %mul3A_579 = arith.mulf %mul3A_576, %mul3A_578 : vector<16xf32>
      %add3A_580 = arith.addf %mul3A_297, %mul3A_579 : vector<16xf32>
      %min3A_581 = arith.minimumf %add3A_544, %add3A_566 : vector<16xf32>
      %max3A_582 = arith.maximumf %sub3A_540, %sub3A_562 : vector<16xf32>
      %sub3A_583 = arith.subf %min3A_581, %max3A_582 : vector<16xf32>
      %max3A_584 = arith.constant 0.000000e+00 : f32
      %max3A_585 = vector.broadcast %max3A_584 : f32 to vector<16xf32>
      %max3A_586 = arith.maximumf %sub3A_583, %max3A_585 : vector<16xf32>
      %min3A_587 = arith.minimumf %add3A_558, %add3A_580 : vector<16xf32>
      %max3A_588 = arith.maximumf %sub3A_551, %sub3A_573 : vector<16xf32>
      %sub3A_589 = arith.subf %min3A_587, %max3A_588 : vector<16xf32>
      %max3A_590 = arith.constant 0.000000e+00 : f32
      %max3A_591 = vector.broadcast %max3A_590 : f32 to vector<16xf32>
      %max3A_592 = arith.maximumf %sub3A_589, %max3A_591 : vector<16xf32>
      %mul3A_593 = arith.mulf %max3A_586, %max3A_592 : vector<16xf32>
      %add3A_594 = arith.addf %mul3A_532, %mul3A_536 : vector<16xf32>
      %sub3A_595 = arith.subf %add3A_594, %mul3A_593 : vector<16xf32>
      %add3A_596 = arith.constant 9.99999997E-7 : f32
      %add3A_597 = vector.broadcast %add3A_596 : f32 to vector<16xf32>
      %add3A_598 = arith.addf %sub3A_595, %add3A_597 : vector<16xf32>
      %div3A_599 = arith.divf %mul3A_593, %add3A_598 : vector<16xf32>
      %sub3A_600 = arith.constant 1.000000e+00 : f32
      %sub3A_601 = vector.broadcast %sub3A_600 : f32 to vector<16xf32>
      %sub3A_602 = arith.subf %sub3A_601, %div3A_599 : vector<16xf32>
      %mul3A_603 = arith.mulf %gather3A_279, %sub3A_602 : vector<16xf32>
      %add3A_604 = arith.addf %add3A_526, %mul3A_603 : vector<16xf32>
      %add3A_605 = arith.addf %add3A_527, %gather3A_279 : vector<16xf32>
      scf.yield %add3A_604, %add3A_605 : vector<16xf32>, vector<16xf32>
    }
    %scan3A_101 = arith.constant 32 : i32
    %dma_wait3A_102 = arith.constant 0 : i32
    %dma_wait3A_103 = arith.constant 0 : i32
    %dma_wait3A_104 = arith.constant 0 : i32
    %dma_wait3A_105 = tpu.memref_slice %arg5[%arg1, %dma_wait3A_102, %dma_wait3A_103, %dma_wait3A_104] : memref<16x2x4x512xi32, #tpu.memory_space<hbm>> -> memref<1x2x4x512xi32, #tpu.memory_space<hbm>>
    %dma_wait3A_106 = tpu.memref_squeeze %dma_wait3A_105 : memref<1x2x4x512xi32, #tpu.memory_space<hbm>> -> memref<2x4x512xi32, #tpu.memory_space<hbm>>
    %dma_wait3A_107 = arith.constant 0 : i32
    %dma_wait3A_108 = arith.constant 0 : i32
    %dma_wait3A_109 = arith.constant 0 : i32
    %dma_wait3A_110 = tpu.memref_slice %arg5[%arg1, %dma_wait3A_107, %dma_wait3A_108, %dma_wait3A_109] : memref<16x2x4x512xi32, #tpu.memory_space<hbm>> -> memref<1x2x4x512xi32, #tpu.memory_space<hbm>>
    %dma_wait3A_111 = tpu.memref_squeeze %dma_wait3A_110 : memref<1x2x4x512xi32, #tpu.memory_space<hbm>> -> memref<2x4x512xi32, #tpu.memory_space<hbm>>
    tpu.wait_dma2 semaphore(%arg21 : memref<!tpu.dma_semaphore, #tpu.memory_space<semaphore_mem>>) src(%dma_wait3A_111 : memref<2x4x512xi32, #tpu.memory_space<hbm>>) dst(%arg13 : memref<2x4x512xi32, #tpu.memory_space<vmem>>)
    %dma_wait3A_112 = arith.constant 0 : i32
    %dma_wait3A_113 = tpu.memref_slice %arg7[%arg1, %dma_wait3A_112] : memref<16x512xf32, #tpu.memory_space<hbm>> -> memref<1x512xf32, #tpu.memory_space<hbm>>
    %dma_wait3A_114 = tpu.memref_squeeze %dma_wait3A_113 : memref<1x512xf32, #tpu.memory_space<hbm>> -> memref<512xf32, #tpu.memory_space<hbm>>
    %dma_wait3A_115 = arith.constant 0 : i32
    %dma_wait3A_116 = tpu.memref_slice %arg7[%arg1, %dma_wait3A_115] : memref<16x512xf32, #tpu.memory_space<hbm>> -> memref<1x512xf32, #tpu.memory_space<hbm>>
    %dma_wait3A_117 = tpu.memref_squeeze %dma_wait3A_116 : memref<1x512xf32, #tpu.memory_space<hbm>> -> memref<512xf32, #tpu.memory_space<hbm>>
    tpu.wait_dma2 semaphore(%arg21 : memref<!tpu.dma_semaphore, #tpu.memory_space<semaphore_mem>>) src(%dma_wait3A_117 : memref<512xf32, #tpu.memory_space<hbm>>) dst(%arg15 : memref<512xf32, #tpu.memory_space<vmem>>)
    %dma_wait3A_118 = arith.constant 0 : i32
    %dma_wait3A_119 = arith.constant 0 : i32
    %dma_wait3A_120 = tpu.memref_slice %arg8[%arg1, %dma_wait3A_118, %dma_wait3A_119] : memref<16x2x512xf32, #tpu.memory_space<hbm>> -> memref<1x2x512xf32, #tpu.memory_space<hbm>>
    %dma_wait3A_121 = tpu.memref_squeeze %dma_wait3A_120 : memref<1x2x512xf32, #tpu.memory_space<hbm>> -> memref<2x512xf32, #tpu.memory_space<hbm>>
    %dma_wait3A_122 = arith.constant 0 : i32
    %dma_wait3A_123 = arith.constant 0 : i32
    %dma_wait3A_124 = tpu.memref_slice %arg8[%arg1, %dma_wait3A_122, %dma_wait3A_123] : memref<16x2x512xf32, #tpu.memory_space<hbm>> -> memref<1x2x512xf32, #tpu.memory_space<hbm>>
    %dma_wait3A_125 = tpu.memref_squeeze %dma_wait3A_124 : memref<1x2x512xf32, #tpu.memory_space<hbm>> -> memref<2x512xf32, #tpu.memory_space<hbm>>
    tpu.wait_dma2 semaphore(%arg21 : memref<!tpu.dma_semaphore, #tpu.memory_space<semaphore_mem>>) src(%dma_wait3A_125 : memref<2x512xf32, #tpu.memory_space<hbm>>) dst(%arg16 : memref<2x512xf32, #tpu.memory_space<vmem>>)
    %scan3A_126 = arith.constant 0 : i32
    %scan3A_127 = arith.constant 32 : i32
    %scan3A_128 = arith.addi %scan3A_126, %scan3A_127 : i32
    %scan3A_129 = arith.constant 1 : i32
    %scan3A_130:2 = scf.for %scan3A_149 = %scan3A_126 to %scan3A_128 step %scan3A_129 iter_args(%scan3A_150 = %broadcast_in_dim3A_92, %scan3A_151 = %broadcast_in_dim3A_92) -> (vector<16xf32>, vector<16xf32>)  : i32 {
      %mul3A = arith.constant 16 : i32
      %mul3A_152 = arith.muli %scan3A_149, %mul3A : i32
      %add3A_153 = vector.broadcast %mul3A_152 : i32 to vector<16xi32>
      %add3A_154 = arith.addi %add3A_153, %iota3A : vector<16xi32>
      %add3A_155 = arith.constant 0 : i32
      %add3A_156 = vector.broadcast %add3A_155 : i32 to vector<16xi32>
      %add3A_157 = arith.addi %broadcast_in_dim3A_94, %add3A_156 : vector<16xi32>
      %add3A_158 = arith.constant 0 : i32
      %add3A_159 = vector.broadcast %add3A_158 : i32 to vector<16xi32>
      %add3A_160 = arith.addi %broadcast_in_dim3A_94, %add3A_159 : vector<16xi32>
      %gather3A = tpu.vector_load_idx %arg13[%add3A_157, %add3A_160, %add3A_154] : memref<2x4x512xi32, #tpu.memory_space<vmem>>[vector<16xi32>, vector<16xi32>, vector<16xi32>], vector<16xi32>,
      %shift_right_arithmetic3A = arith.constant 7 : i32
      %shift_right_arithmetic3A_161 = vector.broadcast %shift_right_arithmetic3A : i32 to vector<16xi32>
      %shift_right_arithmetic3A_162 = arith.shrsi %gather3A, %shift_right_arithmetic3A_161 : vector<16xi32>
      %and3A = arith.constant 127 : i32
      %and3A_163 = vector.broadcast %and3A : i32 to vector<16xi32>
      %and3A_164 = arith.andi %gather3A, %and3A_163 : vector<16xi32>
      %gather3A_165 = tpu.vector_load_idx %arg10[%shift_right_arithmetic3A_162, %and3A_164] : memref<128x128xf32, #tpu.memory_space<vmem>>[vector<16xi32>, vector<16xi32>], vector<16xf32>,
      %shift_right_arithmetic3A_166 = arith.constant 7 : i32
      %shift_right_arithmetic3A_167 = vector.broadcast %shift_right_arithmetic3A_166 : i32 to vector<16xi32>
      %shift_right_arithmetic3A_168 = arith.shrsi %gather3A, %shift_right_arithmetic3A_167 : vector<16xi32>
      %and3A_169 = arith.constant 127 : i32
      %and3A_170 = vector.broadcast %and3A_169 : i32 to vector<16xi32>
      %and3A_171 = arith.andi %gather3A, %and3A_170 : vector<16xi32>
      %gather3A_172 = tpu.vector_load_idx %arg11[%broadcast_in_dim3A_94, %shift_right_arithmetic3A_168, %and3A_171] : memref<2x128x128xf32, #tpu.memory_space<vmem>>[vector<16xi32>, vector<16xi32>, vector<16xi32>], vector<16xf32>,
      %shift_right_arithmetic3A_173 = arith.constant 7 : i32
      %shift_right_arithmetic3A_174 = vector.broadcast %shift_right_arithmetic3A_173 : i32 to vector<16xi32>
      %shift_right_arithmetic3A_175 = arith.shrsi %gather3A, %shift_right_arithmetic3A_174 : vector<16xi32>
      %and3A_176 = arith.constant 127 : i32
      %and3A_177 = vector.broadcast %and3A_176 : i32 to vector<16xi32>
      %and3A_178 = arith.andi %gather3A, %and3A_177 : vector<16xi32>
      %gather3A_179 = tpu.vector_load_idx %arg11[%add3A_96, %shift_right_arithmetic3A_175, %and3A_178] : memref<2x128x128xf32, #tpu.memory_space<vmem>>[vector<16xi32>, vector<16xi32>, vector<16xi32>], vector<16xf32>,
      %add3A_180 = arith.constant 1 : i32
      %add3A_181 = vector.broadcast %add3A_180 : i32 to vector<16xi32>
      %add3A_182 = arith.addi %broadcast_in_dim3A_94, %add3A_181 : vector<16xi32>
      %gather3A_183 = tpu.vector_load_idx %arg13[%add3A_157, %add3A_182, %add3A_154] : memref<2x4x512xi32, #tpu.memory_space<vmem>>[vector<16xi32>, vector<16xi32>, vector<16xi32>], vector<16xi32>,
      %shift_right_arithmetic3A_184 = arith.constant 7 : i32
      %shift_right_arithmetic3A_185 = vector.broadcast %shift_right_arithmetic3A_184 : i32 to vector<16xi32>
      %shift_right_arithmetic3A_186 = arith.shrsi %gather3A_183, %shift_right_arithmetic3A_185 : vector<16xi32>
      %and3A_187 = arith.constant 127 : i32
      %and3A_188 = vector.broadcast %and3A_187 : i32 to vector<16xi32>
      %and3A_189 = arith.andi %gather3A_183, %and3A_188 : vector<16xi32>
      %gather3A_190 = tpu.vector_load_idx %arg10[%shift_right_arithmetic3A_186, %and3A_189] : memref<128x128xf32, #tpu.memory_space<vmem>>[vector<16xi32>, vector<16xi32>], vector<16xf32>,
      %shift_right_arithmetic3A_191 = arith.constant 7 : i32
      %shift_right_arithmetic3A_192 = vector.broadcast %shift_right_arithmetic3A_191 : i32 to vector<16xi32>
      %shift_right_arithmetic3A_193 = arith.shrsi %gather3A_183, %shift_right_arithmetic3A_192 : vector<16xi32>
      %and3A_194 = arith.constant 127 : i32
      %and3A_195 = vector.broadcast %and3A_194 : i32 to vector<16xi32>
      %and3A_196 = arith.andi %gather3A_183, %and3A_195 : vector<16xi32>
      %gather3A_197 = tpu.vector_load_idx %arg11[%broadcast_in_dim3A_94, %shift_right_arithmetic3A_193, %and3A_196] : memref<2x128x128xf32, #tpu.memory_space<vmem>>[vector<16xi32>, vector<16xi32>, vector<16xi32>], vector<16xf32>,
      %shift_right_arithmetic3A_198 = arith.constant 7 : i32
      %shift_right_arithmetic3A_199 = vector.broadcast %shift_right_arithmetic3A_198 : i32 to vector<16xi32>
      %shift_right_arithmetic3A_200 = arith.shrsi %gather3A_183, %shift_right_arithmetic3A_199 : vector<16xi32>
      %and3A_201 = arith.constant 127 : i32
      %and3A_202 = vector.broadcast %and3A_201 : i32 to vector<16xi32>
      %and3A_203 = arith.andi %gather3A_183, %and3A_202 : vector<16xi32>
      %gather3A_204 = tpu.vector_load_idx %arg11[%add3A_96, %shift_right_arithmetic3A_200, %and3A_203] : memref<2x128x128xf32, #tpu.memory_space<vmem>>[vector<16xi32>, vector<16xi32>, vector<16xi32>], vector<16xf32>,
      %add3A_205 = arith.addf %gather3A_165, %gather3A_190 : vector<16xf32>
      %add3A_206 = arith.addf %gather3A_172, %gather3A_197 : vector<16xf32>
      %add3A_207 = arith.addf %gather3A_179, %gather3A_204 : vector<16xf32>
      %add3A_208 = arith.constant 2 : i32
      %add3A_209 = vector.broadcast %add3A_208 : i32 to vector<16xi32>
      %add3A_210 = arith.addi %broadcast_in_dim3A_94, %add3A_209 : vector<16xi32>
      %gather3A_211 = tpu.vector_load_idx %arg13[%add3A_157, %add3A_210, %add3A_154] : memref<2x4x512xi32, #tpu.memory_space<vmem>>[vector<16xi32>, vector<16xi32>, vector<16xi32>], vector<16xi32>,
      %shift_right_arithmetic3A_212 = arith.constant 7 : i32
      %shift_right_arithmetic3A_213 = vector.broadcast %shift_right_arithmetic3A_212 : i32 to vector<16xi32>
      %shift_right_arithmetic3A_214 = arith.shrsi %gather3A_211, %shift_right_arithmetic3A_213 : vector<16xi32>
      %and3A_215 = arith.constant 127 : i32
      %and3A_216 = vector.broadcast %and3A_215 : i32 to vector<16xi32>
      %and3A_217 = arith.andi %gather3A_211, %and3A_216 : vector<16xi32>
      %gather3A_218 = tpu.vector_load_idx %arg10[%shift_right_arithmetic3A_214, %and3A_217] : memref<128x128xf32, #tpu.memory_space<vmem>>[vector<16xi32>, vector<16xi32>], vector<16xf32>,
      %shift_right_arithmetic3A_219 = arith.constant 7 : i32
      %shift_right_arithmetic3A_220 = vector.broadcast %shift_right_arithmetic3A_219 : i32 to vector<16xi32>
      %shift_right_arithmetic3A_221 = arith.shrsi %gather3A_211, %shift_right_arithmetic3A_220 : vector<16xi32>
      %and3A_222 = arith.constant 127 : i32
      %and3A_223 = vector.broadcast %and3A_222 : i32 to vector<16xi32>
      %and3A_224 = arith.andi %gather3A_211, %and3A_223 : vector<16xi32>
      %gather3A_225 = tpu.vector_load_idx %arg11[%broadcast_in_dim3A_94, %shift_right_arithmetic3A_221, %and3A_224] : memref<2x128x128xf32, #tpu.memory_space<vmem>>[vector<16xi32>, vector<16xi32>, vector<16xi32>], vector<16xf32>,
      %shift_right_arithmetic3A_226 = arith.constant 7 : i32
      %shift_right_arithmetic3A_227 = vector.broadcast %shift_right_arithmetic3A_226 : i32 to vector<16xi32>
      %shift_right_arithmetic3A_228 = arith.shrsi %gather3A_211, %shift_right_arithmetic3A_227 : vector<16xi32>
      %and3A_229 = arith.constant 127 : i32
      %and3A_230 = vector.broadcast %and3A_229 : i32 to vector<16xi32>
      %and3A_231 = arith.andi %gather3A_211, %and3A_230 : vector<16xi32>
      %gather3A_232 = tpu.vector_load_idx %arg11[%add3A_96, %shift_right_arithmetic3A_228, %and3A_231] : memref<2x128x128xf32, #tpu.memory_space<vmem>>[vector<16xi32>, vector<16xi32>, vector<16xi32>], vector<16xf32>,
      %add3A_233 = arith.addf %add3A_205, %gather3A_218 : vector<16xf32>
      %add3A_234 = arith.addf %add3A_206, %gather3A_225 : vector<16xf32>
      %add3A_235 = arith.addf %add3A_207, %gather3A_232 : vector<16xf32>
      %add3A_236 = arith.constant 3 : i32
      %add3A_237 = vector.broadcast %add3A_236 : i32 to vector<16xi32>
      %add3A_238 = arith.addi %broadcast_in_dim3A_94, %add3A_237 : vector<16xi32>
      %gather3A_239 = tpu.vector_load_idx %arg13[%add3A_157, %add3A_238, %add3A_154] : memref<2x4x512xi32, #tpu.memory_space<vmem>>[vector<16xi32>, vector<16xi32>, vector<16xi32>], vector<16xi32>,
      %shift_right_arithmetic3A_240 = arith.constant 7 : i32
      %shift_right_arithmetic3A_241 = vector.broadcast %shift_right_arithmetic3A_240 : i32 to vector<16xi32>
      %shift_right_arithmetic3A_242 = arith.shrsi %gather3A_239, %shift_right_arithmetic3A_241 : vector<16xi32>
      %and3A_243 = arith.constant 127 : i32
      %and3A_244 = vector.broadcast %and3A_243 : i32 to vector<16xi32>
      %and3A_245 = arith.andi %gather3A_239, %and3A_244 : vector<16xi32>
      %gather3A_246 = tpu.vector_load_idx %arg10[%shift_right_arithmetic3A_242, %and3A_245] : memref<128x128xf32, #tpu.memory_space<vmem>>[vector<16xi32>, vector<16xi32>], vector<16xf32>,
      %shift_right_arithmetic3A_247 = arith.constant 7 : i32
      %shift_right_arithmetic3A_248 = vector.broadcast %shift_right_arithmetic3A_247 : i32 to vector<16xi32>
      %shift_right_arithmetic3A_249 = arith.shrsi %gather3A_239, %shift_right_arithmetic3A_248 : vector<16xi32>
      %and3A_250 = arith.constant 127 : i32
      %and3A_251 = vector.broadcast %and3A_250 : i32 to vector<16xi32>
      %and3A_252 = arith.andi %gather3A_239, %and3A_251 : vector<16xi32>
      %gather3A_253 = tpu.vector_load_idx %arg11[%broadcast_in_dim3A_94, %shift_right_arithmetic3A_249, %and3A_252] : memref<2x128x128xf32, #tpu.memory_space<vmem>>[vector<16xi32>, vector<16xi32>, vector<16xi32>], vector<16xf32>,
      %shift_right_arithmetic3A_254 = arith.constant 7 : i32
      %shift_right_arithmetic3A_255 = vector.broadcast %shift_right_arithmetic3A_254 : i32 to vector<16xi32>
      %shift_right_arithmetic3A_256 = arith.shrsi %gather3A_239, %shift_right_arithmetic3A_255 : vector<16xi32>
      %and3A_257 = arith.constant 127 : i32
      %and3A_258 = vector.broadcast %and3A_257 : i32 to vector<16xi32>
      %and3A_259 = arith.andi %gather3A_239, %and3A_258 : vector<16xi32>
      %gather3A_260 = tpu.vector_load_idx %arg11[%add3A_96, %shift_right_arithmetic3A_256, %and3A_259] : memref<2x128x128xf32, #tpu.memory_space<vmem>>[vector<16xi32>, vector<16xi32>, vector<16xi32>], vector<16xf32>,
      %add3A_261 = arith.addf %add3A_233, %gather3A_246 : vector<16xf32>
      %add3A_262 = arith.addf %add3A_234, %gather3A_253 : vector<16xf32>
      %add3A_263 = arith.addf %add3A_235, %gather3A_260 : vector<16xf32>
      %mul3A_264 = arith.constant 2.500000e-01 : f32
      %mul3A_265 = vector.broadcast %mul3A_264 : f32 to vector<16xf32>
      %mul3A_266 = arith.mulf %add3A_261, %mul3A_265 : vector<16xf32>
      %mul3A_267 = arith.constant 2.500000e-01 : f32
      %mul3A_268 = vector.broadcast %mul3A_267 : f32 to vector<16xf32>
      %mul3A_269 = arith.mulf %add3A_262, %mul3A_268 : vector<16xf32>
      %add3A_270 = arith.constant 5.000000e-01 : f32
      %add3A_271 = vector.broadcast %add3A_270 : f32 to vector<16xf32>
      %add3A_272 = arith.addf %mul3A_269, %add3A_271 : vector<16xf32>
      %mul3A_273 = arith.constant 2.500000e-01 : f32
      %mul3A_274 = vector.broadcast %mul3A_273 : f32 to vector<16xf32>
      %mul3A_275 = arith.mulf %add3A_263, %mul3A_274 : vector<16xf32>
      %add3A_276 = arith.constant 5.000000e-01 : f32
      %add3A_277 = vector.broadcast %add3A_276 : f32 to vector<16xf32>
      %add3A_278 = arith.addf %mul3A_275, %add3A_277 : vector<16xf32>
      %exp3A = math.exp %mul3A_266 : vector<16xf32>
      %add3A_279 = arith.constant 1 : i32
      %add3A_280 = vector.broadcast %add3A_279 : i32 to vector<16xi32>
      %add3A_281 = arith.addi %broadcast_in_dim3A_94, %add3A_280 : vector<16xi32>
      %add3A_282 = arith.constant 0 : i32
      %add3A_283 = vector.broadcast %add3A_282 : i32 to vector<16xi32>
      %add3A_284 = arith.addi %broadcast_in_dim3A_94, %add3A_283 : vector<16xi32>
      %gather3A_285 = tpu.vector_load_idx %arg13[%add3A_281, %add3A_284, %add3A_154] : memref<2x4x512xi32, #tpu.memory_space<vmem>>[vector<16xi32>, vector<16xi32>, vector<16xi32>], vector<16xi32>,
      %shift_right_arithmetic3A_286 = arith.constant 7 : i32
      %shift_right_arithmetic3A_287 = vector.broadcast %shift_right_arithmetic3A_286 : i32 to vector<16xi32>
      %shift_right_arithmetic3A_288 = arith.shrsi %gather3A_285, %shift_right_arithmetic3A_287 : vector<16xi32>
      %and3A_289 = arith.constant 127 : i32
      %and3A_290 = vector.broadcast %and3A_289 : i32 to vector<16xi32>
      %and3A_291 = arith.andi %gather3A_285, %and3A_290 : vector<16xi32>
      %gather3A_292 = tpu.vector_load_idx %arg10[%shift_right_arithmetic3A_288, %and3A_291] : memref<128x128xf32, #tpu.memory_space<vmem>>[vector<16xi32>, vector<16xi32>], vector<16xf32>,
      %shift_right_arithmetic3A_293 = arith.constant 7 : i32
      %shift_right_arithmetic3A_294 = vector.broadcast %shift_right_arithmetic3A_293 : i32 to vector<16xi32>
      %shift_right_arithmetic3A_295 = arith.shrsi %gather3A_285, %shift_right_arithmetic3A_294 : vector<16xi32>
      %and3A_296 = arith.constant 127 : i32
      %and3A_297 = vector.broadcast %and3A_296 : i32 to vector<16xi32>
      %and3A_298 = arith.andi %gather3A_285, %and3A_297 : vector<16xi32>
      %gather3A_299 = tpu.vector_load_idx %arg11[%broadcast_in_dim3A_94, %shift_right_arithmetic3A_295, %and3A_298] : memref<2x128x128xf32, #tpu.memory_space<vmem>>[vector<16xi32>, vector<16xi32>, vector<16xi32>], vector<16xf32>,
      %shift_right_arithmetic3A_300 = arith.constant 7 : i32
      %shift_right_arithmetic3A_301 = vector.broadcast %shift_right_arithmetic3A_300 : i32 to vector<16xi32>
      %shift_right_arithmetic3A_302 = arith.shrsi %gather3A_285, %shift_right_arithmetic3A_301 : vector<16xi32>
      %and3A_303 = arith.constant 127 : i32
      %and3A_304 = vector.broadcast %and3A_303 : i32 to vector<16xi32>
      %and3A_305 = arith.andi %gather3A_285, %and3A_304 : vector<16xi32>
      %gather3A_306 = tpu.vector_load_idx %arg11[%add3A_96, %shift_right_arithmetic3A_302, %and3A_305] : memref<2x128x128xf32, #tpu.memory_space<vmem>>[vector<16xi32>, vector<16xi32>, vector<16xi32>], vector<16xf32>,
      %add3A_307 = arith.constant 1 : i32
      %add3A_308 = vector.broadcast %add3A_307 : i32 to vector<16xi32>
      %add3A_309 = arith.addi %broadcast_in_dim3A_94, %add3A_308 : vector<16xi32>
      %gather3A_310 = tpu.vector_load_idx %arg13[%add3A_281, %add3A_309, %add3A_154] : memref<2x4x512xi32, #tpu.memory_space<vmem>>[vector<16xi32>, vector<16xi32>, vector<16xi32>], vector<16xi32>,
      %shift_right_arithmetic3A_311 = arith.constant 7 : i32
      %shift_right_arithmetic3A_312 = vector.broadcast %shift_right_arithmetic3A_311 : i32 to vector<16xi32>
      %shift_right_arithmetic3A_313 = arith.shrsi %gather3A_310, %shift_right_arithmetic3A_312 : vector<16xi32>
      %and3A_314 = arith.constant 127 : i32
      %and3A_315 = vector.broadcast %and3A_314 : i32 to vector<16xi32>
      %and3A_316 = arith.andi %gather3A_310, %and3A_315 : vector<16xi32>
      %gather3A_317 = tpu.vector_load_idx %arg10[%shift_right_arithmetic3A_313, %and3A_316] : memref<128x128xf32, #tpu.memory_space<vmem>>[vector<16xi32>, vector<16xi32>], vector<16xf32>,
      %shift_right_arithmetic3A_318 = arith.constant 7 : i32
      %shift_right_arithmetic3A_319 = vector.broadcast %shift_right_arithmetic3A_318 : i32 to vector<16xi32>
      %shift_right_arithmetic3A_320 = arith.shrsi %gather3A_310, %shift_right_arithmetic3A_319 : vector<16xi32>
      %and3A_321 = arith.constant 127 : i32
      %and3A_322 = vector.broadcast %and3A_321 : i32 to vector<16xi32>
      %and3A_323 = arith.andi %gather3A_310, %and3A_322 : vector<16xi32>
      %gather3A_324 = tpu.vector_load_idx %arg11[%broadcast_in_dim3A_94, %shift_right_arithmetic3A_320, %and3A_323] : memref<2x128x128xf32, #tpu.memory_space<vmem>>[vector<16xi32>, vector<16xi32>, vector<16xi32>], vector<16xf32>,
      %shift_right_arithmetic3A_325 = arith.constant 7 : i32
      %shift_right_arithmetic3A_326 = vector.broadcast %shift_right_arithmetic3A_325 : i32 to vector<16xi32>
      %shift_right_arithmetic3A_327 = arith.shrsi %gather3A_310, %shift_right_arithmetic3A_326 : vector<16xi32>
      %and3A_328 = arith.constant 127 : i32
      %and3A_329 = vector.broadcast %and3A_328 : i32 to vector<16xi32>
      %and3A_330 = arith.andi %gather3A_310, %and3A_329 : vector<16xi32>
      %gather3A_331 = tpu.vector_load_idx %arg11[%add3A_96, %shift_right_arithmetic3A_327, %and3A_330] : memref<2x128x128xf32, #tpu.memory_space<vmem>>[vector<16xi32>, vector<16xi32>, vector<16xi32>], vector<16xf32>,
      %add3A_332 = arith.addf %gather3A_292, %gather3A_317 : vector<16xf32>
      %add3A_333 = arith.addf %gather3A_299, %gather3A_324 : vector<16xf32>
      %add3A_334 = arith.addf %gather3A_306, %gather3A_331 : vector<16xf32>
      %add3A_335 = arith.constant 2 : i32
      %add3A_336 = vector.broadcast %add3A_335 : i32 to vector<16xi32>
      %add3A_337 = arith.addi %broadcast_in_dim3A_94, %add3A_336 : vector<16xi32>
      %gather3A_338 = tpu.vector_load_idx %arg13[%add3A_281, %add3A_337, %add3A_154] : memref<2x4x512xi32, #tpu.memory_space<vmem>>[vector<16xi32>, vector<16xi32>, vector<16xi32>], vector<16xi32>,
      %shift_right_arithmetic3A_339 = arith.constant 7 : i32
      %shift_right_arithmetic3A_340 = vector.broadcast %shift_right_arithmetic3A_339 : i32 to vector<16xi32>
      %shift_right_arithmetic3A_341 = arith.shrsi %gather3A_338, %shift_right_arithmetic3A_340 : vector<16xi32>
      %and3A_342 = arith.constant 127 : i32
      %and3A_343 = vector.broadcast %and3A_342 : i32 to vector<16xi32>
      %and3A_344 = arith.andi %gather3A_338, %and3A_343 : vector<16xi32>
      %gather3A_345 = tpu.vector_load_idx %arg10[%shift_right_arithmetic3A_341, %and3A_344] : memref<128x128xf32, #tpu.memory_space<vmem>>[vector<16xi32>, vector<16xi32>], vector<16xf32>,
      %shift_right_arithmetic3A_346 = arith.constant 7 : i32
      %shift_right_arithmetic3A_347 = vector.broadcast %shift_right_arithmetic3A_346 : i32 to vector<16xi32>
      %shift_right_arithmetic3A_348 = arith.shrsi %gather3A_338, %shift_right_arithmetic3A_347 : vector<16xi32>
      %and3A_349 = arith.constant 127 : i32
      %and3A_350 = vector.broadcast %and3A_349 : i32 to vector<16xi32>
      %and3A_351 = arith.andi %gather3A_338, %and3A_350 : vector<16xi32>
      %gather3A_352 = tpu.vector_load_idx %arg11[%broadcast_in_dim3A_94, %shift_right_arithmetic3A_348, %and3A_351] : memref<2x128x128xf32, #tpu.memory_space<vmem>>[vector<16xi32>, vector<16xi32>, vector<16xi32>], vector<16xf32>,
      %shift_right_arithmetic3A_353 = arith.constant 7 : i32
      %shift_right_arithmetic3A_354 = vector.broadcast %shift_right_arithmetic3A_353 : i32 to vector<16xi32>
      %shift_right_arithmetic3A_355 = arith.shrsi %gather3A_338, %shift_right_arithmetic3A_354 : vector<16xi32>
      %and3A_356 = arith.constant 127 : i32
      %and3A_357 = vector.broadcast %and3A_356 : i32 to vector<16xi32>
      %and3A_358 = arith.andi %gather3A_338, %and3A_357 : vector<16xi32>
      %gather3A_359 = tpu.vector_load_idx %arg11[%add3A_96, %shift_right_arithmetic3A_355, %and3A_358] : memref<2x128x128xf32, #tpu.memory_space<vmem>>[vector<16xi32>, vector<16xi32>, vector<16xi32>], vector<16xf32>,
      %add3A_360 = arith.addf %add3A_332, %gather3A_345 : vector<16xf32>
      %add3A_361 = arith.addf %add3A_333, %gather3A_352 : vector<16xf32>
      %add3A_362 = arith.addf %add3A_334, %gather3A_359 : vector<16xf32>
      %add3A_363 = arith.constant 3 : i32
      %add3A_364 = vector.broadcast %add3A_363 : i32 to vector<16xi32>
      %add3A_365 = arith.addi %broadcast_in_dim3A_94, %add3A_364 : vector<16xi32>
      %gather3A_366 = tpu.vector_load_idx %arg13[%add3A_281, %add3A_365, %add3A_154] : memref<2x4x512xi32, #tpu.memory_space<vmem>>[vector<16xi32>, vector<16xi32>, vector<16xi32>], vector<16xi32>,
      %shift_right_arithmetic3A_367 = arith.constant 7 : i32
      %shift_right_arithmetic3A_368 = vector.broadcast %shift_right_arithmetic3A_367 : i32 to vector<16xi32>
      %shift_right_arithmetic3A_369 = arith.shrsi %gather3A_366, %shift_right_arithmetic3A_368 : vector<16xi32>
      %and3A_370 = arith.constant 127 : i32
      %and3A_371 = vector.broadcast %and3A_370 : i32 to vector<16xi32>
      %and3A_372 = arith.andi %gather3A_366, %and3A_371 : vector<16xi32>
      %gather3A_373 = tpu.vector_load_idx %arg10[%shift_right_arithmetic3A_369, %and3A_372] : memref<128x128xf32, #tpu.memory_space<vmem>>[vector<16xi32>, vector<16xi32>], vector<16xf32>,
      %shift_right_arithmetic3A_374 = arith.constant 7 : i32
      %shift_right_arithmetic3A_375 = vector.broadcast %shift_right_arithmetic3A_374 : i32 to vector<16xi32>
      %shift_right_arithmetic3A_376 = arith.shrsi %gather3A_366, %shift_right_arithmetic3A_375 : vector<16xi32>
      %and3A_377 = arith.constant 127 : i32
      %and3A_378 = vector.broadcast %and3A_377 : i32 to vector<16xi32>
      %and3A_379 = arith.andi %gather3A_366, %and3A_378 : vector<16xi32>
      %gather3A_380 = tpu.vector_load_idx %arg11[%broadcast_in_dim3A_94, %shift_right_arithmetic3A_376, %and3A_379] : memref<2x128x128xf32, #tpu.memory_space<vmem>>[vector<16xi32>, vector<16xi32>, vector<16xi32>], vector<16xf32>,
      %shift_right_arithmetic3A_381 = arith.constant 7 : i32
      %shift_right_arithmetic3A_382 = vector.broadcast %shift_right_arithmetic3A_381 : i32 to vector<16xi32>
      %shift_right_arithmetic3A_383 = arith.shrsi %gather3A_366, %shift_right_arithmetic3A_382 : vector<16xi32>
      %and3A_384 = arith.constant 127 : i32
      %and3A_385 = vector.broadcast %and3A_384 : i32 to vector<16xi32>
      %and3A_386 = arith.andi %gather3A_366, %and3A_385 : vector<16xi32>
      %gather3A_387 = tpu.vector_load_idx %arg11[%add3A_96, %shift_right_arithmetic3A_383, %and3A_386] : memref<2x128x128xf32, #tpu.memory_space<vmem>>[vector<16xi32>, vector<16xi32>, vector<16xi32>], vector<16xf32>,
      %add3A_388 = arith.addf %add3A_360, %gather3A_373 : vector<16xf32>
      %add3A_389 = arith.addf %add3A_361, %gather3A_380 : vector<16xf32>
      %add3A_390 = arith.addf %add3A_362, %gather3A_387 : vector<16xf32>
      %mul3A_391 = arith.constant 2.500000e-01 : f32
      %mul3A_392 = vector.broadcast %mul3A_391 : f32 to vector<16xf32>
      %mul3A_393 = arith.mulf %add3A_388, %mul3A_392 : vector<16xf32>
      %mul3A_394 = arith.constant 2.500000e-01 : f32
      %mul3A_395 = vector.broadcast %mul3A_394 : f32 to vector<16xf32>
      %mul3A_396 = arith.mulf %add3A_389, %mul3A_395 : vector<16xf32>
      %add3A_397 = arith.constant 5.000000e-01 : f32
      %add3A_398 = vector.broadcast %add3A_397 : f32 to vector<16xf32>
      %add3A_399 = arith.addf %mul3A_396, %add3A_398 : vector<16xf32>
      %mul3A_400 = arith.constant 2.500000e-01 : f32
      %mul3A_401 = vector.broadcast %mul3A_400 : f32 to vector<16xf32>
      %mul3A_402 = arith.mulf %add3A_390, %mul3A_401 : vector<16xf32>
      %add3A_403 = arith.constant 5.000000e-01 : f32
      %add3A_404 = vector.broadcast %add3A_403 : f32 to vector<16xf32>
      %add3A_405 = arith.addf %mul3A_402, %add3A_404 : vector<16xf32>
      %gather3A_406 = tpu.vector_load_idx %arg16[%broadcast_in_dim3A_94, %add3A_154] : memref<2x512xf32, #tpu.memory_space<vmem>>[vector<16xi32>, vector<16xi32>], vector<16xf32>,
      %add3A_407 = arith.addf %add3A_399, %gather3A_406 : vector<16xf32>
      %gather3A_408 = tpu.vector_load_idx %arg16[%add3A_96, %add3A_154] : memref<2x512xf32, #tpu.memory_space<vmem>>[vector<16xi32>, vector<16xi32>], vector<16xf32>,
      %add3A_409 = arith.addf %add3A_405, %gather3A_408 : vector<16xf32>
      %exp3A_410 = math.exp %mul3A_393 : vector<16xf32>
      %mul3A_411 = arith.mulf %exp3A, %exp3A : vector<16xf32>
      %mul3A_412 = arith.constant 4.100000e-01 : f32
      %mul3A_413 = vector.broadcast %mul3A_412 : f32 to vector<16xf32>
      %mul3A_414 = arith.mulf %mul3A_411, %mul3A_413 : vector<16xf32>
      %mul3A_415 = arith.mulf %exp3A_410, %exp3A_410 : vector<16xf32>
      %mul3A_416 = arith.constant 4.100000e-01 : f32
      %mul3A_417 = vector.broadcast %mul3A_416 : f32 to vector<16xf32>
      %mul3A_418 = arith.mulf %mul3A_415, %mul3A_417 : vector<16xf32>
      %mul3A_419 = arith.constant 5.000000e-01 : f32
      %mul3A_420 = vector.broadcast %mul3A_419 : f32 to vector<16xf32>
      %mul3A_421 = arith.mulf %exp3A, %mul3A_420 : vector<16xf32>
      %sub3A = arith.subf %add3A_272, %mul3A_421 : vector<16xf32>
      %mul3A_422 = arith.constant 5.000000e-01 : f32
      %mul3A_423 = vector.broadcast %mul3A_422 : f32 to vector<16xf32>
      %mul3A_424 = arith.mulf %exp3A, %mul3A_423 : vector<16xf32>
      %add3A_425 = arith.addf %add3A_272, %mul3A_424 : vector<16xf32>
      %mul3A_426 = arith.constant 4.100000e-01 : f32
      %mul3A_427 = vector.broadcast %mul3A_426 : f32 to vector<16xf32>
      %mul3A_428 = arith.mulf %mul3A_427, %exp3A : vector<16xf32>
      %mul3A_429 = arith.constant 5.000000e-01 : f32
      %mul3A_430 = vector.broadcast %mul3A_429 : f32 to vector<16xf32>
      %mul3A_431 = arith.mulf %mul3A_428, %mul3A_430 : vector<16xf32>
      %sub3A_432 = arith.subf %add3A_278, %mul3A_431 : vector<16xf32>
      %mul3A_433 = arith.constant 4.100000e-01 : f32
      %mul3A_434 = vector.broadcast %mul3A_433 : f32 to vector<16xf32>
      %mul3A_435 = arith.mulf %mul3A_434, %exp3A : vector<16xf32>
      %mul3A_436 = arith.constant 5.000000e-01 : f32
      %mul3A_437 = vector.broadcast %mul3A_436 : f32 to vector<16xf32>
      %mul3A_438 = arith.mulf %mul3A_435, %mul3A_437 : vector<16xf32>
      %add3A_439 = arith.addf %add3A_278, %mul3A_438 : vector<16xf32>
      %mul3A_440 = arith.constant 5.000000e-01 : f32
      %mul3A_441 = vector.broadcast %mul3A_440 : f32 to vector<16xf32>
      %mul3A_442 = arith.mulf %exp3A_410, %mul3A_441 : vector<16xf32>
      %sub3A_443 = arith.subf %add3A_407, %mul3A_442 : vector<16xf32>
      %mul3A_444 = arith.constant 5.000000e-01 : f32
      %mul3A_445 = vector.broadcast %mul3A_444 : f32 to vector<16xf32>
      %mul3A_446 = arith.mulf %exp3A_410, %mul3A_445 : vector<16xf32>
      %add3A_447 = arith.addf %add3A_407, %mul3A_446 : vector<16xf32>
      %mul3A_448 = arith.constant 4.100000e-01 : f32
      %mul3A_449 = vector.broadcast %mul3A_448 : f32 to vector<16xf32>
      %mul3A_450 = arith.mulf %mul3A_449, %exp3A_410 : vector<16xf32>
      %mul3A_451 = arith.constant 5.000000e-01 : f32
      %mul3A_452 = vector.broadcast %mul3A_451 : f32 to vector<16xf32>
      %mul3A_453 = arith.mulf %mul3A_450, %mul3A_452 : vector<16xf32>
      %sub3A_454 = arith.subf %add3A_409, %mul3A_453 : vector<16xf32>
      %mul3A_455 = arith.constant 4.100000e-01 : f32
      %mul3A_456 = vector.broadcast %mul3A_455 : f32 to vector<16xf32>
      %mul3A_457 = arith.mulf %mul3A_456, %exp3A_410 : vector<16xf32>
      %mul3A_458 = arith.constant 5.000000e-01 : f32
      %mul3A_459 = vector.broadcast %mul3A_458 : f32 to vector<16xf32>
      %mul3A_460 = arith.mulf %mul3A_457, %mul3A_459 : vector<16xf32>
      %add3A_461 = arith.addf %add3A_409, %mul3A_460 : vector<16xf32>
      %min3A = arith.minimumf %add3A_425, %add3A_447 : vector<16xf32>
      %max3A = arith.maximumf %sub3A, %sub3A_443 : vector<16xf32>
      %sub3A_462 = arith.subf %min3A, %max3A : vector<16xf32>
      %max3A_463 = arith.constant 0.000000e+00 : f32
      %max3A_464 = vector.broadcast %max3A_463 : f32 to vector<16xf32>
      %max3A_465 = arith.maximumf %sub3A_462, %max3A_464 : vector<16xf32>
      %min3A_466 = arith.minimumf %add3A_439, %add3A_461 : vector<16xf32>
      %max3A_467 = arith.maximumf %sub3A_432, %sub3A_454 : vector<16xf32>
      %sub3A_468 = arith.subf %min3A_466, %max3A_467 : vector<16xf32>
      %max3A_469 = arith.constant 0.000000e+00 : f32
      %max3A_470 = vector.broadcast %max3A_469 : f32 to vector<16xf32>
      %max3A_471 = arith.maximumf %sub3A_468, %max3A_470 : vector<16xf32>
      %mul3A_472 = arith.mulf %max3A_465, %max3A_471 : vector<16xf32>
      %add3A_473 = arith.addf %mul3A_414, %mul3A_418 : vector<16xf32>
      %sub3A_474 = arith.subf %add3A_473, %mul3A_472 : vector<16xf32>
      %add3A_475 = arith.constant 9.99999997E-7 : f32
      %add3A_476 = vector.broadcast %add3A_475 : f32 to vector<16xf32>
      %add3A_477 = arith.addf %sub3A_474, %add3A_476 : vector<16xf32>
      %div3A = arith.divf %mul3A_472, %add3A_477 : vector<16xf32>
      %gather3A_478 = tpu.vector_load_idx %arg15[%add3A_154] : memref<512xf32, #tpu.memory_space<vmem>>[vector<16xi32>], vector<16xf32>,
      %mul3A_479 = arith.mulf %gather3A_478, %div3A : vector<16xf32>
      %add3A_480 = arith.addf %scan3A_150, %mul3A_479 : vector<16xf32>
      %add3A_481 = arith.addf %scan3A_151, %gather3A_478 : vector<16xf32>
      scf.yield %add3A_480, %add3A_481 : vector<16xf32>, vector<16xf32>
    }
    %scan3A_131 = arith.constant 32 : i32
    %swap3A = arith.constant 0 : index
    %swap3A_132 = tpu.vector_load %arg17[%swap3A] {strides = array<i32>} : memref<128xf32, #tpu.memory_space<vmem>>, vector<16xf32>,
    tpu.vector_store %arg17[%swap3A], %scan3A_100#0 {strides = array<i32>} : memref<128xf32, #tpu.memory_space<vmem>>, vector<16xf32>,
    %swap3A_133 = arith.constant 16 : index
    %swap3A_134 = tpu.vector_load %arg17[%swap3A_133] {strides = array<i32>} : memref<128xf32, #tpu.memory_space<vmem>>, vector<16xf32>,
    tpu.vector_store %arg17[%swap3A_133], %scan3A_100#1 {strides = array<i32>} : memref<128xf32, #tpu.memory_space<vmem>>, vector<16xf32>,
    %swap3A_135 = arith.constant 32 : index
    %swap3A_136 = tpu.vector_load %arg17[%swap3A_135] {strides = array<i32>} : memref<128xf32, #tpu.memory_space<vmem>>, vector<16xf32>,
    tpu.vector_store %arg17[%swap3A_135], %scan3A_130#0 {strides = array<i32>} : memref<128xf32, #tpu.memory_space<vmem>>, vector<16xf32>,
    %swap3A_137 = arith.constant 48 : index
    %swap3A_138 = tpu.vector_load %arg17[%swap3A_137] {strides = array<i32>} : memref<128xf32, #tpu.memory_space<vmem>>, vector<16xf32>,
    tpu.vector_store %arg17[%swap3A_137], %scan3A_130#1 {strides = array<i32>} : memref<128xf32, #tpu.memory_space<vmem>>, vector<16xf32>,
    %swap3A_139 = arith.constant 64 : index
    %swap3A_140 = tpu.vector_load %arg17[%swap3A_139] {strides = array<i32>} : memref<128xf32, #tpu.memory_space<vmem>>, vector<16xf32>,
    tpu.vector_store %arg17[%swap3A_139], %broadcast_in_dim3A_92 {strides = array<i32>} : memref<128xf32, #tpu.memory_space<vmem>>, vector<16xf32>,
    %swap3A_141 = arith.constant 80 : index
    %swap3A_142 = tpu.vector_load %arg17[%swap3A_141] {strides = array<i32>} : memref<128xf32, #tpu.memory_space<vmem>>, vector<16xf32>,
    tpu.vector_store %arg17[%swap3A_141], %broadcast_in_dim3A_92 {strides = array<i32>} : memref<128xf32, #tpu.memory_space<vmem>>, vector<16xf32>,
    %swap3A_143 = arith.constant 96 : index
    %swap3A_144 = tpu.vector_load %arg17[%swap3A_143] {strides = array<i32>} : memref<128xf32, #tpu.memory_space<vmem>>, vector<16xf32>,
    tpu.vector_store %arg17[%swap3A_143], %broadcast_in_dim3A_92 {strides = array<i32>} : memref<128xf32, #tpu.memory_space<vmem>>, vector<16xf32>,
    %swap3A_145 = arith.constant 112 : index
    %swap3A_146 = tpu.vector_load %arg17[%swap3A_145] {strides = array<i32>} : memref<128xf32, #tpu.memory_space<vmem>>, vector<16xf32>,
    tpu.vector_store %arg17[%swap3A_145], %broadcast_in_dim3A_92 {strides = array<i32>} : memref<128xf32, #tpu.memory_space<vmem>>, vector<16xf32>,
    "tpu.region"() ({
      %run_scoped3A = tpu.sem_alloc : memref<!tpu.dma_semaphore, #tpu.memory_space<semaphore_mem>>
      %dma_start3A_149 = arith.constant 0 : i32
      %dma_start3A_150 = tpu.memref_slice %arg19[%arg1, %dma_start3A_149] : memref<16x128xf32, #tpu.memory_space<vmem_shared>> -> memref<1x128xf32, #tpu.memory_space<vmem_shared>>
      %dma_start3A_151 = tpu.memref_squeeze %dma_start3A_150 : memref<1x128xf32, #tpu.memory_space<vmem_shared>> -> memref<128xf32, #tpu.memory_space<vmem_shared>>
      %dma_start3A_152 = arith.constant 0 : i32
      %dma_start3A_153 = tpu.memref_slice %arg19[%arg1, %dma_start3A_152] : memref<16x128xf32, #tpu.memory_space<vmem_shared>> -> memref<1x128xf32, #tpu.memory_space<vmem_shared>>
      %dma_start3A_154 = tpu.memref_squeeze %dma_start3A_153 : memref<1x128xf32, #tpu.memory_space<vmem_shared>> -> memref<128xf32, #tpu.memory_space<vmem_shared>>
      tpu.enqueue_dma source(%arg17 : memref<128xf32, #tpu.memory_space<vmem>>) target(%dma_start3A_154 : memref<128xf32, #tpu.memory_space<vmem_shared>>) target_semaphore(%run_scoped3A : memref<!tpu.dma_semaphore, #tpu.memory_space<semaphore_mem>>)
      %dma_wait3A_155 = arith.constant 0 : i32
      %dma_wait3A_156 = tpu.memref_slice %arg19[%arg1, %dma_wait3A_155] : memref<16x128xf32, #tpu.memory_space<vmem_shared>> -> memref<1x128xf32, #tpu.memory_space<vmem_shared>>
      %dma_wait3A_157 = tpu.memref_squeeze %dma_wait3A_156 : memref<1x128xf32, #tpu.memory_space<vmem_shared>> -> memref<128xf32, #tpu.memory_space<vmem_shared>>
      %dma_wait3A_158 = arith.constant 0 : i32
      %dma_wait3A_159 = tpu.memref_slice %arg19[%arg1, %dma_wait3A_158] : memref<16x128xf32, #tpu.memory_space<vmem_shared>> -> memref<1x128xf32, #tpu.memory_space<vmem_shared>>
      %dma_wait3A_160 = tpu.memref_squeeze %dma_wait3A_159 : memref<1x128xf32, #tpu.memory_space<vmem_shared>> -> memref<128xf32, #tpu.memory_space<vmem_shared>>
      tpu.wait_dma2 semaphore(%run_scoped3A : memref<!tpu.dma_semaphore, #tpu.memory_space<semaphore_mem>>) src(%arg17 : memref<128xf32, #tpu.memory_space<vmem>>) dst(%dma_wait3A_160 : memref<128xf32, #tpu.memory_space<vmem_shared>>)
      tpu.yield
    }) : () -> ()
    %barrier3A = arith.constant 0 : index
    tpu.barrier barrier_id(%barrier3A)
    %eq3A = arith.constant 0 : i32
    %eq3A_147 = arith.cmpi eq, %arg1, %eq3A : i32
    %convert_element_type3A = arith.extui %eq3A_147 : i1 to i32
    %cond3A = arith.constant 0 : i32
    %cond3A_148 = arith.cmpi ne, %convert_element_type3A, %cond3A : i32
    scf.if %cond3A_148 {
      "tpu.region"() ({
        %run_scoped3A = tpu.sem_alloc : memref<!tpu.dma_semaphore, #tpu.memory_space<semaphore_mem>>
        tpu.enqueue_dma source(%arg19 : memref<16x128xf32, #tpu.memory_space<vmem_shared>>) target(%arg18 : memref<16x128xf32, #tpu.memory_space<vmem>>) target_semaphore(%run_scoped3A : memref<!tpu.dma_semaphore, #tpu.memory_space<semaphore_mem>>)
        tpu.wait_dma2 semaphore(%run_scoped3A : memref<!tpu.dma_semaphore, #tpu.memory_space<semaphore_mem>>) src(%arg19 : memref<16x128xf32, #tpu.memory_space<vmem_shared>>) dst(%arg18 : memref<16x128xf32, #tpu.memory_space<vmem>>)
        tpu.yield
      }) : () -> ()
      %get3A = arith.constant 0 : i32
      %get3A_149 = arith.index_cast %get3A : i32 to index
      %get3A_150 = arith.constant 0 : index
      %get3A_151 = tpu.vector_load %arg18[%get3A_149, %get3A_150] {strides = array<i32>} : memref<16x128xf32, #tpu.memory_space<vmem>>, vector<16xf32>,
      %add3A_152 = arith.addf %broadcast_in_dim3A_92, %get3A_151 : vector<16xf32>
      %get3A_153 = arith.constant 0 : i32
      %get3A_154 = arith.index_cast %get3A_153 : i32 to index
      %get3A_155 = arith.constant 16 : index
      %get3A_156 = tpu.vector_load %arg18[%get3A_154, %get3A_155] {strides = array<i32>} : memref<16x128xf32, #tpu.memory_space<vmem>>, vector<16xf32>,
      %add3A_157 = arith.addf %broadcast_in_dim3A_92, %get3A_156 : vector<16xf32>
      %get3A_158 = arith.constant 0 : i32
      %get3A_159 = arith.index_cast %get3A_158 : i32 to index
      %get3A_160 = arith.constant 32 : index
      %get3A_161 = tpu.vector_load %arg18[%get3A_159, %get3A_160] {strides = array<i32>} : memref<16x128xf32, #tpu.memory_space<vmem>>, vector<16xf32>,
      %add3A_162 = arith.addf %broadcast_in_dim3A_92, %get3A_161 : vector<16xf32>
      %get3A_163 = arith.constant 0 : i32
      %get3A_164 = arith.index_cast %get3A_163 : i32 to index
      %get3A_165 = arith.constant 48 : index
      %get3A_166 = tpu.vector_load %arg18[%get3A_164, %get3A_165] {strides = array<i32>} : memref<16x128xf32, #tpu.memory_space<vmem>>, vector<16xf32>,
      %add3A_167 = arith.addf %broadcast_in_dim3A_92, %get3A_166 : vector<16xf32>
      %get3A_168 = arith.constant 1 : i32
      %get3A_169 = arith.index_cast %get3A_168 : i32 to index
      %get3A_170 = arith.constant 0 : index
      %get3A_171 = tpu.vector_load %arg18[%get3A_169, %get3A_170] {strides = array<i32>} : memref<16x128xf32, #tpu.memory_space<vmem>>, vector<16xf32>,
      %add3A_172 = arith.addf %add3A_152, %get3A_171 : vector<16xf32>
      %get3A_173 = arith.constant 1 : i32
      %get3A_174 = arith.index_cast %get3A_173 : i32 to index
      %get3A_175 = arith.constant 16 : index
      %get3A_176 = tpu.vector_load %arg18[%get3A_174, %get3A_175] {strides = array<i32>} : memref<16x128xf32, #tpu.memory_space<vmem>>, vector<16xf32>,
      %add3A_177 = arith.addf %add3A_157, %get3A_176 : vector<16xf32>
      %get3A_178 = arith.constant 1 : i32
      %get3A_179 = arith.index_cast %get3A_178 : i32 to index
      %get3A_180 = arith.constant 32 : index
      %get3A_181 = tpu.vector_load %arg18[%get3A_179, %get3A_180] {strides = array<i32>} : memref<16x128xf32, #tpu.memory_space<vmem>>, vector<16xf32>,
      %add3A_182 = arith.addf %add3A_162, %get3A_181 : vector<16xf32>
      %get3A_183 = arith.constant 1 : i32
      %get3A_184 = arith.index_cast %get3A_183 : i32 to index
      %get3A_185 = arith.constant 48 : index
      %get3A_186 = tpu.vector_load %arg18[%get3A_184, %get3A_185] {strides = array<i32>} : memref<16x128xf32, #tpu.memory_space<vmem>>, vector<16xf32>,
      %add3A_187 = arith.addf %add3A_167, %get3A_186 : vector<16xf32>
      %get3A_188 = arith.constant 2 : i32
      %get3A_189 = arith.index_cast %get3A_188 : i32 to index
      %get3A_190 = arith.constant 0 : index
      %get3A_191 = tpu.vector_load %arg18[%get3A_189, %get3A_190] {strides = array<i32>} : memref<16x128xf32, #tpu.memory_space<vmem>>, vector<16xf32>,
      %add3A_192 = arith.addf %add3A_172, %get3A_191 : vector<16xf32>
      %get3A_193 = arith.constant 2 : i32
      %get3A_194 = arith.index_cast %get3A_193 : i32 to index
      %get3A_195 = arith.constant 16 : index
      %get3A_196 = tpu.vector_load %arg18[%get3A_194, %get3A_195] {strides = array<i32>} : memref<16x128xf32, #tpu.memory_space<vmem>>, vector<16xf32>,
      %add3A_197 = arith.addf %add3A_177, %get3A_196 : vector<16xf32>
      %get3A_198 = arith.constant 2 : i32
      %get3A_199 = arith.index_cast %get3A_198 : i32 to index
      %get3A_200 = arith.constant 32 : index
      %get3A_201 = tpu.vector_load %arg18[%get3A_199, %get3A_200] {strides = array<i32>} : memref<16x128xf32, #tpu.memory_space<vmem>>, vector<16xf32>,
      %add3A_202 = arith.addf %add3A_182, %get3A_201 : vector<16xf32>
      %get3A_203 = arith.constant 2 : i32
      %get3A_204 = arith.index_cast %get3A_203 : i32 to index
      %get3A_205 = arith.constant 48 : index
      %get3A_206 = tpu.vector_load %arg18[%get3A_204, %get3A_205] {strides = array<i32>} : memref<16x128xf32, #tpu.memory_space<vmem>>, vector<16xf32>,
      %add3A_207 = arith.addf %add3A_187, %get3A_206 : vector<16xf32>
      %get3A_208 = arith.constant 3 : i32
      %get3A_209 = arith.index_cast %get3A_208 : i32 to index
      %get3A_210 = arith.constant 0 : index
      %get3A_211 = tpu.vector_load %arg18[%get3A_209, %get3A_210] {strides = array<i32>} : memref<16x128xf32, #tpu.memory_space<vmem>>, vector<16xf32>,
      %add3A_212 = arith.addf %add3A_192, %get3A_211 : vector<16xf32>
      %get3A_213 = arith.constant 3 : i32
      %get3A_214 = arith.index_cast %get3A_213 : i32 to index
      %get3A_215 = arith.constant 16 : index
      %get3A_216 = tpu.vector_load %arg18[%get3A_214, %get3A_215] {strides = array<i32>} : memref<16x128xf32, #tpu.memory_space<vmem>>, vector<16xf32>,
      %add3A_217 = arith.addf %add3A_197, %get3A_216 : vector<16xf32>
      %get3A_218 = arith.constant 3 : i32
      %get3A_219 = arith.index_cast %get3A_218 : i32 to index
      %get3A_220 = arith.constant 32 : index
      %get3A_221 = tpu.vector_load %arg18[%get3A_219, %get3A_220] {strides = array<i32>} : memref<16x128xf32, #tpu.memory_space<vmem>>, vector<16xf32>,
      %add3A_222 = arith.addf %add3A_202, %get3A_221 : vector<16xf32>
      %get3A_223 = arith.constant 3 : i32
      %get3A_224 = arith.index_cast %get3A_223 : i32 to index
      %get3A_225 = arith.constant 48 : index
      %get3A_226 = tpu.vector_load %arg18[%get3A_224, %get3A_225] {strides = array<i32>} : memref<16x128xf32, #tpu.memory_space<vmem>>, vector<16xf32>,
      %add3A_227 = arith.addf %add3A_207, %get3A_226 : vector<16xf32>
      %get3A_228 = arith.constant 4 : i32
      %get3A_229 = arith.index_cast %get3A_228 : i32 to index
      %get3A_230 = arith.constant 0 : index
      %get3A_231 = tpu.vector_load %arg18[%get3A_229, %get3A_230] {strides = array<i32>} : memref<16x128xf32, #tpu.memory_space<vmem>>, vector<16xf32>,
      %add3A_232 = arith.addf %add3A_212, %get3A_231 : vector<16xf32>
      %get3A_233 = arith.constant 4 : i32
      %get3A_234 = arith.index_cast %get3A_233 : i32 to index
      %get3A_235 = arith.constant 16 : index
      %get3A_236 = tpu.vector_load %arg18[%get3A_234, %get3A_235] {strides = array<i32>} : memref<16x128xf32, #tpu.memory_space<vmem>>, vector<16xf32>,
      %add3A_237 = arith.addf %add3A_217, %get3A_236 : vector<16xf32>
      %get3A_238 = arith.constant 4 : i32
      %get3A_239 = arith.index_cast %get3A_238 : i32 to index
      %get3A_240 = arith.constant 32 : index
      %get3A_241 = tpu.vector_load %arg18[%get3A_239, %get3A_240] {strides = array<i32>} : memref<16x128xf32, #tpu.memory_space<vmem>>, vector<16xf32>,
      %add3A_242 = arith.addf %add3A_222, %get3A_241 : vector<16xf32>
      %get3A_243 = arith.constant 4 : i32
      %get3A_244 = arith.index_cast %get3A_243 : i32 to index
      %get3A_245 = arith.constant 48 : index
      %get3A_246 = tpu.vector_load %arg18[%get3A_244, %get3A_245] {strides = array<i32>} : memref<16x128xf32, #tpu.memory_space<vmem>>, vector<16xf32>,
      %add3A_247 = arith.addf %add3A_227, %get3A_246 : vector<16xf32>
      %get3A_248 = arith.constant 5 : i32
      %get3A_249 = arith.index_cast %get3A_248 : i32 to index
      %get3A_250 = arith.constant 0 : index
      %get3A_251 = tpu.vector_load %arg18[%get3A_249, %get3A_250] {strides = array<i32>} : memref<16x128xf32, #tpu.memory_space<vmem>>, vector<16xf32>,
      %add3A_252 = arith.addf %add3A_232, %get3A_251 : vector<16xf32>
      %get3A_253 = arith.constant 5 : i32
      %get3A_254 = arith.index_cast %get3A_253 : i32 to index
      %get3A_255 = arith.constant 16 : index
      %get3A_256 = tpu.vector_load %arg18[%get3A_254, %get3A_255] {strides = array<i32>} : memref<16x128xf32, #tpu.memory_space<vmem>>, vector<16xf32>,
      %add3A_257 = arith.addf %add3A_237, %get3A_256 : vector<16xf32>
      %get3A_258 = arith.constant 5 : i32
      %get3A_259 = arith.index_cast %get3A_258 : i32 to index
      %get3A_260 = arith.constant 32 : index
      %get3A_261 = tpu.vector_load %arg18[%get3A_259, %get3A_260] {strides = array<i32>} : memref<16x128xf32, #tpu.memory_space<vmem>>, vector<16xf32>,
      %add3A_262 = arith.addf %add3A_242, %get3A_261 : vector<16xf32>
      %get3A_263 = arith.constant 5 : i32
      %get3A_264 = arith.index_cast %get3A_263 : i32 to index
      %get3A_265 = arith.constant 48 : index
      %get3A_266 = tpu.vector_load %arg18[%get3A_264, %get3A_265] {strides = array<i32>} : memref<16x128xf32, #tpu.memory_space<vmem>>, vector<16xf32>,
      %add3A_267 = arith.addf %add3A_247, %get3A_266 : vector<16xf32>
      %get3A_268 = arith.constant 6 : i32
      %get3A_269 = arith.index_cast %get3A_268 : i32 to index
      %get3A_270 = arith.constant 0 : index
      %get3A_271 = tpu.vector_load %arg18[%get3A_269, %get3A_270] {strides = array<i32>} : memref<16x128xf32, #tpu.memory_space<vmem>>, vector<16xf32>,
      %add3A_272 = arith.addf %add3A_252, %get3A_271 : vector<16xf32>
      %get3A_273 = arith.constant 6 : i32
      %get3A_274 = arith.index_cast %get3A_273 : i32 to index
      %get3A_275 = arith.constant 16 : index
      %get3A_276 = tpu.vector_load %arg18[%get3A_274, %get3A_275] {strides = array<i32>} : memref<16x128xf32, #tpu.memory_space<vmem>>, vector<16xf32>,
      %add3A_277 = arith.addf %add3A_257, %get3A_276 : vector<16xf32>
      %get3A_278 = arith.constant 6 : i32
      %get3A_279 = arith.index_cast %get3A_278 : i32 to index
      %get3A_280 = arith.constant 32 : index
      %get3A_281 = tpu.vector_load %arg18[%get3A_279, %get3A_280] {strides = array<i32>} : memref<16x128xf32, #tpu.memory_space<vmem>>, vector<16xf32>,
      %add3A_282 = arith.addf %add3A_262, %get3A_281 : vector<16xf32>
      %get3A_283 = arith.constant 6 : i32
      %get3A_284 = arith.index_cast %get3A_283 : i32 to index
      %get3A_285 = arith.constant 48 : index
      %get3A_286 = tpu.vector_load %arg18[%get3A_284, %get3A_285] {strides = array<i32>} : memref<16x128xf32, #tpu.memory_space<vmem>>, vector<16xf32>,
      %add3A_287 = arith.addf %add3A_267, %get3A_286 : vector<16xf32>
      %get3A_288 = arith.constant 7 : i32
      %get3A_289 = arith.index_cast %get3A_288 : i32 to index
      %get3A_290 = arith.constant 0 : index
      %get3A_291 = tpu.vector_load %arg18[%get3A_289, %get3A_290] {strides = array<i32>} : memref<16x128xf32, #tpu.memory_space<vmem>>, vector<16xf32>,
      %add3A_292 = arith.addf %add3A_272, %get3A_291 : vector<16xf32>
      %get3A_293 = arith.constant 7 : i32
      %get3A_294 = arith.index_cast %get3A_293 : i32 to index
      %get3A_295 = arith.constant 16 : index
      %get3A_296 = tpu.vector_load %arg18[%get3A_294, %get3A_295] {strides = array<i32>} : memref<16x128xf32, #tpu.memory_space<vmem>>, vector<16xf32>,
      %add3A_297 = arith.addf %add3A_277, %get3A_296 : vector<16xf32>
      %get3A_298 = arith.constant 7 : i32
      %get3A_299 = arith.index_cast %get3A_298 : i32 to index
      %get3A_300 = arith.constant 32 : index
      %get3A_301 = tpu.vector_load %arg18[%get3A_299, %get3A_300] {strides = array<i32>} : memref<16x128xf32, #tpu.memory_space<vmem>>, vector<16xf32>,
      %add3A_302 = arith.addf %add3A_282, %get3A_301 : vector<16xf32>
      %get3A_303 = arith.constant 7 : i32
      %get3A_304 = arith.index_cast %get3A_303 : i32 to index
      %get3A_305 = arith.constant 48 : index
      %get3A_306 = tpu.vector_load %arg18[%get3A_304, %get3A_305] {strides = array<i32>} : memref<16x128xf32, #tpu.memory_space<vmem>>, vector<16xf32>,
      %add3A_307 = arith.addf %add3A_287, %get3A_306 : vector<16xf32>
      %get3A_308 = arith.constant 8 : i32
      %get3A_309 = arith.index_cast %get3A_308 : i32 to index
      %get3A_310 = arith.constant 0 : index
      %get3A_311 = tpu.vector_load %arg18[%get3A_309, %get3A_310] {strides = array<i32>} : memref<16x128xf32, #tpu.memory_space<vmem>>, vector<16xf32>,
      %add3A_312 = arith.addf %add3A_292, %get3A_311 : vector<16xf32>
      %get3A_313 = arith.constant 8 : i32
      %get3A_314 = arith.index_cast %get3A_313 : i32 to index
      %get3A_315 = arith.constant 16 : index
      %get3A_316 = tpu.vector_load %arg18[%get3A_314, %get3A_315] {strides = array<i32>} : memref<16x128xf32, #tpu.memory_space<vmem>>, vector<16xf32>,
      %add3A_317 = arith.addf %add3A_297, %get3A_316 : vector<16xf32>
      %get3A_318 = arith.constant 8 : i32
      %get3A_319 = arith.index_cast %get3A_318 : i32 to index
      %get3A_320 = arith.constant 32 : index
      %get3A_321 = tpu.vector_load %arg18[%get3A_319, %get3A_320] {strides = array<i32>} : memref<16x128xf32, #tpu.memory_space<vmem>>, vector<16xf32>,
      %add3A_322 = arith.addf %add3A_302, %get3A_321 : vector<16xf32>
      %get3A_323 = arith.constant 8 : i32
      %get3A_324 = arith.index_cast %get3A_323 : i32 to index
      %get3A_325 = arith.constant 48 : index
      %get3A_326 = tpu.vector_load %arg18[%get3A_324, %get3A_325] {strides = array<i32>} : memref<16x128xf32, #tpu.memory_space<vmem>>, vector<16xf32>,
      %add3A_327 = arith.addf %add3A_307, %get3A_326 : vector<16xf32>
      %get3A_328 = arith.constant 9 : i32
      %get3A_329 = arith.index_cast %get3A_328 : i32 to index
      %get3A_330 = arith.constant 0 : index
      %get3A_331 = tpu.vector_load %arg18[%get3A_329, %get3A_330] {strides = array<i32>} : memref<16x128xf32, #tpu.memory_space<vmem>>, vector<16xf32>,
      %add3A_332 = arith.addf %add3A_312, %get3A_331 : vector<16xf32>
      %get3A_333 = arith.constant 9 : i32
      %get3A_334 = arith.index_cast %get3A_333 : i32 to index
      %get3A_335 = arith.constant 16 : index
      %get3A_336 = tpu.vector_load %arg18[%get3A_334, %get3A_335] {strides = array<i32>} : memref<16x128xf32, #tpu.memory_space<vmem>>, vector<16xf32>,
      %add3A_337 = arith.addf %add3A_317, %get3A_336 : vector<16xf32>
      %get3A_338 = arith.constant 9 : i32
      %get3A_339 = arith.index_cast %get3A_338 : i32 to index
      %get3A_340 = arith.constant 32 : index
      %get3A_341 = tpu.vector_load %arg18[%get3A_339, %get3A_340] {strides = array<i32>} : memref<16x128xf32, #tpu.memory_space<vmem>>, vector<16xf32>,
      %add3A_342 = arith.addf %add3A_322, %get3A_341 : vector<16xf32>
      %get3A_343 = arith.constant 9 : i32
      %get3A_344 = arith.index_cast %get3A_343 : i32 to index
      %get3A_345 = arith.constant 48 : index
      %get3A_346 = tpu.vector_load %arg18[%get3A_344, %get3A_345] {strides = array<i32>} : memref<16x128xf32, #tpu.memory_space<vmem>>, vector<16xf32>,
      %add3A_347 = arith.addf %add3A_327, %get3A_346 : vector<16xf32>
      %get3A_348 = arith.constant 10 : i32
      %get3A_349 = arith.index_cast %get3A_348 : i32 to index
      %get3A_350 = arith.constant 0 : index
      %get3A_351 = tpu.vector_load %arg18[%get3A_349, %get3A_350] {strides = array<i32>} : memref<16x128xf32, #tpu.memory_space<vmem>>, vector<16xf32>,
      %add3A_352 = arith.addf %add3A_332, %get3A_351 : vector<16xf32>
      %get3A_353 = arith.constant 10 : i32
      %get3A_354 = arith.index_cast %get3A_353 : i32 to index
      %get3A_355 = arith.constant 16 : index
      %get3A_356 = tpu.vector_load %arg18[%get3A_354, %get3A_355] {strides = array<i32>} : memref<16x128xf32, #tpu.memory_space<vmem>>, vector<16xf32>,
      %add3A_357 = arith.addf %add3A_337, %get3A_356 : vector<16xf32>
      %get3A_358 = arith.constant 10 : i32
      %get3A_359 = arith.index_cast %get3A_358 : i32 to index
      %get3A_360 = arith.constant 32 : index
      %get3A_361 = tpu.vector_load %arg18[%get3A_359, %get3A_360] {strides = array<i32>} : memref<16x128xf32, #tpu.memory_space<vmem>>, vector<16xf32>,
      %add3A_362 = arith.addf %add3A_342, %get3A_361 : vector<16xf32>
      %get3A_363 = arith.constant 10 : i32
      %get3A_364 = arith.index_cast %get3A_363 : i32 to index
      %get3A_365 = arith.constant 48 : index
      %get3A_366 = tpu.vector_load %arg18[%get3A_364, %get3A_365] {strides = array<i32>} : memref<16x128xf32, #tpu.memory_space<vmem>>, vector<16xf32>,
      %add3A_367 = arith.addf %add3A_347, %get3A_366 : vector<16xf32>
      %get3A_368 = arith.constant 11 : i32
      %get3A_369 = arith.index_cast %get3A_368 : i32 to index
      %get3A_370 = arith.constant 0 : index
      %get3A_371 = tpu.vector_load %arg18[%get3A_369, %get3A_370] {strides = array<i32>} : memref<16x128xf32, #tpu.memory_space<vmem>>, vector<16xf32>,
      %add3A_372 = arith.addf %add3A_352, %get3A_371 : vector<16xf32>
      %get3A_373 = arith.constant 11 : i32
      %get3A_374 = arith.index_cast %get3A_373 : i32 to index
      %get3A_375 = arith.constant 16 : index
      %get3A_376 = tpu.vector_load %arg18[%get3A_374, %get3A_375] {strides = array<i32>} : memref<16x128xf32, #tpu.memory_space<vmem>>, vector<16xf32>,
      %add3A_377 = arith.addf %add3A_357, %get3A_376 : vector<16xf32>
      %get3A_378 = arith.constant 11 : i32
      %get3A_379 = arith.index_cast %get3A_378 : i32 to index
      %get3A_380 = arith.constant 32 : index
      %get3A_381 = tpu.vector_load %arg18[%get3A_379, %get3A_380] {strides = array<i32>} : memref<16x128xf32, #tpu.memory_space<vmem>>, vector<16xf32>,
      %add3A_382 = arith.addf %add3A_362, %get3A_381 : vector<16xf32>
      %get3A_383 = arith.constant 11 : i32
      %get3A_384 = arith.index_cast %get3A_383 : i32 to index
      %get3A_385 = arith.constant 48 : index
      %get3A_386 = tpu.vector_load %arg18[%get3A_384, %get3A_385] {strides = array<i32>} : memref<16x128xf32, #tpu.memory_space<vmem>>, vector<16xf32>,
      %add3A_387 = arith.addf %add3A_367, %get3A_386 : vector<16xf32>
      %get3A_388 = arith.constant 12 : i32
      %get3A_389 = arith.index_cast %get3A_388 : i32 to index
      %get3A_390 = arith.constant 0 : index
      %get3A_391 = tpu.vector_load %arg18[%get3A_389, %get3A_390] {strides = array<i32>} : memref<16x128xf32, #tpu.memory_space<vmem>>, vector<16xf32>,
      %add3A_392 = arith.addf %add3A_372, %get3A_391 : vector<16xf32>
      %get3A_393 = arith.constant 12 : i32
      %get3A_394 = arith.index_cast %get3A_393 : i32 to index
      %get3A_395 = arith.constant 16 : index
      %get3A_396 = tpu.vector_load %arg18[%get3A_394, %get3A_395] {strides = array<i32>} : memref<16x128xf32, #tpu.memory_space<vmem>>, vector<16xf32>,
      %add3A_397 = arith.addf %add3A_377, %get3A_396 : vector<16xf32>
      %get3A_398 = arith.constant 12 : i32
      %get3A_399 = arith.index_cast %get3A_398 : i32 to index
      %get3A_400 = arith.constant 32 : index
      %get3A_401 = tpu.vector_load %arg18[%get3A_399, %get3A_400] {strides = array<i32>} : memref<16x128xf32, #tpu.memory_space<vmem>>, vector<16xf32>,
      %add3A_402 = arith.addf %add3A_382, %get3A_401 : vector<16xf32>
      %get3A_403 = arith.constant 12 : i32
      %get3A_404 = arith.index_cast %get3A_403 : i32 to index
      %get3A_405 = arith.constant 48 : index
      %get3A_406 = tpu.vector_load %arg18[%get3A_404, %get3A_405] {strides = array<i32>} : memref<16x128xf32, #tpu.memory_space<vmem>>, vector<16xf32>,
      %add3A_407 = arith.addf %add3A_387, %get3A_406 : vector<16xf32>
      %get3A_408 = arith.constant 13 : i32
      %get3A_409 = arith.index_cast %get3A_408 : i32 to index
      %get3A_410 = arith.constant 0 : index
      %get3A_411 = tpu.vector_load %arg18[%get3A_409, %get3A_410] {strides = array<i32>} : memref<16x128xf32, #tpu.memory_space<vmem>>, vector<16xf32>,
      %add3A_412 = arith.addf %add3A_392, %get3A_411 : vector<16xf32>
      %get3A_413 = arith.constant 13 : i32
      %get3A_414 = arith.index_cast %get3A_413 : i32 to index
      %get3A_415 = arith.constant 16 : index
      %get3A_416 = tpu.vector_load %arg18[%get3A_414, %get3A_415] {strides = array<i32>} : memref<16x128xf32, #tpu.memory_space<vmem>>, vector<16xf32>,
      %add3A_417 = arith.addf %add3A_397, %get3A_416 : vector<16xf32>
      %get3A_418 = arith.constant 13 : i32
      %get3A_419 = arith.index_cast %get3A_418 : i32 to index
      %get3A_420 = arith.constant 32 : index
      %get3A_421 = tpu.vector_load %arg18[%get3A_419, %get3A_420] {strides = array<i32>} : memref<16x128xf32, #tpu.memory_space<vmem>>, vector<16xf32>,
      %add3A_422 = arith.addf %add3A_402, %get3A_421 : vector<16xf32>
      %get3A_423 = arith.constant 13 : i32
      %get3A_424 = arith.index_cast %get3A_423 : i32 to index
      %get3A_425 = arith.constant 48 : index
      %get3A_426 = tpu.vector_load %arg18[%get3A_424, %get3A_425] {strides = array<i32>} : memref<16x128xf32, #tpu.memory_space<vmem>>, vector<16xf32>,
      %add3A_427 = arith.addf %add3A_407, %get3A_426 : vector<16xf32>
      %get3A_428 = arith.constant 14 : i32
      %get3A_429 = arith.index_cast %get3A_428 : i32 to index
      %get3A_430 = arith.constant 0 : index
      %get3A_431 = tpu.vector_load %arg18[%get3A_429, %get3A_430] {strides = array<i32>} : memref<16x128xf32, #tpu.memory_space<vmem>>, vector<16xf32>,
      %add3A_432 = arith.addf %add3A_412, %get3A_431 : vector<16xf32>
      %get3A_433 = arith.constant 14 : i32
      %get3A_434 = arith.index_cast %get3A_433 : i32 to index
      %get3A_435 = arith.constant 16 : index
      %get3A_436 = tpu.vector_load %arg18[%get3A_434, %get3A_435] {strides = array<i32>} : memref<16x128xf32, #tpu.memory_space<vmem>>, vector<16xf32>,
      %add3A_437 = arith.addf %add3A_417, %get3A_436 : vector<16xf32>
      %get3A_438 = arith.constant 14 : i32
      %get3A_439 = arith.index_cast %get3A_438 : i32 to index
      %get3A_440 = arith.constant 32 : index
      %get3A_441 = tpu.vector_load %arg18[%get3A_439, %get3A_440] {strides = array<i32>} : memref<16x128xf32, #tpu.memory_space<vmem>>, vector<16xf32>,
      %add3A_442 = arith.addf %add3A_422, %get3A_441 : vector<16xf32>
      %get3A_443 = arith.constant 14 : i32
      %get3A_444 = arith.index_cast %get3A_443 : i32 to index
      %get3A_445 = arith.constant 48 : index
      %get3A_446 = tpu.vector_load %arg18[%get3A_444, %get3A_445] {strides = array<i32>} : memref<16x128xf32, #tpu.memory_space<vmem>>, vector<16xf32>,
      %add3A_447 = arith.addf %add3A_427, %get3A_446 : vector<16xf32>
      %get3A_448 = arith.constant 15 : i32
      %get3A_449 = arith.index_cast %get3A_448 : i32 to index
      %get3A_450 = arith.constant 0 : index
      %get3A_451 = tpu.vector_load %arg18[%get3A_449, %get3A_450] {strides = array<i32>} : memref<16x128xf32, #tpu.memory_space<vmem>>, vector<16xf32>,
      %add3A_452 = arith.addf %add3A_432, %get3A_451 : vector<16xf32>
      %get3A_453 = arith.constant 15 : i32
      %get3A_454 = arith.index_cast %get3A_453 : i32 to index
      %get3A_455 = arith.constant 16 : index
      %get3A_456 = tpu.vector_load %arg18[%get3A_454, %get3A_455] {strides = array<i32>} : memref<16x128xf32, #tpu.memory_space<vmem>>, vector<16xf32>,
      %add3A_457 = arith.addf %add3A_437, %get3A_456 : vector<16xf32>
      %get3A_458 = arith.constant 15 : i32
      %get3A_459 = arith.index_cast %get3A_458 : i32 to index
      %get3A_460 = arith.constant 32 : index
      %get3A_461 = tpu.vector_load %arg18[%get3A_459, %get3A_460] {strides = array<i32>} : memref<16x128xf32, #tpu.memory_space<vmem>>, vector<16xf32>,
      %add3A_462 = arith.addf %add3A_442, %get3A_461 : vector<16xf32>
      %get3A_463 = arith.constant 15 : i32
      %get3A_464 = arith.index_cast %get3A_463 : i32 to index
      %get3A_465 = arith.constant 48 : index
      %get3A_466 = tpu.vector_load %arg18[%get3A_464, %get3A_465] {strides = array<i32>} : memref<16x128xf32, #tpu.memory_space<vmem>>, vector<16xf32>,
      %add3A_467 = arith.addf %add3A_447, %get3A_466 : vector<16xf32>
      %reduce_sum3A = arith.constant true
      %reduce_sum3A_468 = vector.broadcast %reduce_sum3A : i1 to vector<16xi1>
      %reduce_sum3A_469 = tpu.scan <sum>, %add3A_452 masked %reduce_sum3A_468 : vector<16xf32>, vector<16xi1> -> vector<16xf32>
      %reduce_sum3A_470 = vector.extract %reduce_sum3A_469[15] : f32 from vector<16xf32>
      %add3A_471 = vector.broadcast %reduce_sum3A_470 : f32 to vector<16xf32>
      %add3A_472 = arith.addf %broadcast_in_dim3A_92, %add3A_471 : vector<16xf32>
      %reduce_sum3A_473 = arith.constant true
      %reduce_sum3A_474 = vector.broadcast %reduce_sum3A_473 : i1 to vector<16xi1>
      %reduce_sum3A_475 = tpu.scan <sum>, %add3A_457 masked %reduce_sum3A_474 : vector<16xf32>, vector<16xi1> -> vector<16xf32>
      %reduce_sum3A_476 = vector.extract %reduce_sum3A_475[15] : f32 from vector<16xf32>
      %add3A_477 = vector.broadcast %reduce_sum3A_476 : f32 to vector<16xf32>
      %add3A_478 = arith.addf %broadcast_in_dim3A_92, %add3A_477 : vector<16xf32>
      %reduce_sum3A_479 = arith.constant true
      %reduce_sum3A_480 = vector.broadcast %reduce_sum3A_479 : i1 to vector<16xi1>
      %reduce_sum3A_481 = tpu.scan <sum>, %add3A_462 masked %reduce_sum3A_480 : vector<16xf32>, vector<16xi1> -> vector<16xf32>
      %reduce_sum3A_482 = vector.extract %reduce_sum3A_481[15] : f32 from vector<16xf32>
      %add3A_483 = vector.broadcast %reduce_sum3A_482 : f32 to vector<16xf32>
      %add3A_484 = arith.addf %broadcast_in_dim3A_92, %add3A_483 : vector<16xf32>
      %reduce_sum3A_485 = arith.constant true
      %reduce_sum3A_486 = vector.broadcast %reduce_sum3A_485 : i1 to vector<16xi1>
      %reduce_sum3A_487 = tpu.scan <sum>, %add3A_467 masked %reduce_sum3A_486 : vector<16xf32>, vector<16xi1> -> vector<16xf32>
      %reduce_sum3A_488 = vector.extract %reduce_sum3A_487[15] : f32 from vector<16xf32>
      %add3A_489 = vector.broadcast %reduce_sum3A_488 : f32 to vector<16xf32>
      %add3A_490 = arith.addf %broadcast_in_dim3A_92, %add3A_489 : vector<16xf32>
      %add3A_491 = arith.constant 9.99999974E-5 : f32
      %add3A_492 = vector.broadcast %add3A_491 : f32 to vector<16xf32>
      %add3A_493 = arith.addf %add3A_478, %add3A_492 : vector<16xf32>
      %div3A = arith.divf %add3A_472, %add3A_493 : vector<16xf32>
      %add3A_494 = arith.constant 9.99999974E-5 : f32
      %add3A_495 = vector.broadcast %add3A_494 : f32 to vector<16xf32>
      %add3A_496 = arith.addf %add3A_490, %add3A_495 : vector<16xf32>
      %div3A_497 = arith.divf %add3A_484, %add3A_496 : vector<16xf32>
      %add3A_498 = arith.addf %div3A, %div3A_497 : vector<16xf32>
      %swap3A_499 = arith.constant 0 : index
      %swap3A_500 = tpu.vector_load %arg17[%swap3A_499] {strides = array<i32>} : memref<128xf32, #tpu.memory_space<vmem>>, vector<16xf32>,
      tpu.vector_store %arg17[%swap3A_499], %add3A_498 {strides = array<i32>} : memref<128xf32, #tpu.memory_space<vmem>>, vector<16xf32>,
      "tpu.region"() ({
        %run_scoped3A = tpu.sem_alloc : memref<!tpu.dma_semaphore, #tpu.memory_space<semaphore_mem>>
        %dma_start3A_501 = arith.constant 0 : i32
        %dma_start3A_502 = tpu.memref_slice %arg17[%dma_start3A_501] : memref<128xf32, #tpu.memory_space<vmem>> -> memref<8xf32, #tpu.memory_space<vmem>>
        %dma_start3A_503 = arith.constant 0 : i32
        %dma_start3A_504 = tpu.memref_slice %arg17[%dma_start3A_503] : memref<128xf32, #tpu.memory_space<vmem>> -> memref<8xf32, #tpu.memory_space<vmem>>
        tpu.enqueue_dma source(%dma_start3A_504 : memref<8xf32, #tpu.memory_space<vmem>>) target(%arg9 : memref<8xf32, #tpu.memory_space<hbm>>) target_semaphore(%run_scoped3A : memref<!tpu.dma_semaphore, #tpu.memory_space<semaphore_mem>>)
        %dma_wait3A_505 = arith.constant 0 : i32
        %dma_wait3A_506 = tpu.memref_slice %arg17[%dma_wait3A_505] : memref<128xf32, #tpu.memory_space<vmem>> -> memref<8xf32, #tpu.memory_space<vmem>>
        %dma_wait3A_507 = arith.constant 0 : i32
        %dma_wait3A_508 = tpu.memref_slice %arg17[%dma_wait3A_507] : memref<128xf32, #tpu.memory_space<vmem>> -> memref<8xf32, #tpu.memory_space<vmem>>
        tpu.wait_dma2 semaphore(%run_scoped3A : memref<!tpu.dma_semaphore, #tpu.memory_space<semaphore_mem>>) src(%dma_wait3A_508 : memref<8xf32, #tpu.memory_space<vmem>>) dst(%arg9 : memref<8xf32, #tpu.memory_space<hbm>>)
        tpu.yield
      }) : () -> ()
    } else {
    }
    return
  }
}

</mosaic_0001>

<sc_bundles>
// kernel: kernel.3.cloned.1.call-start
scs
__scs_entry_jumppad:
0x0: {  	(pc) =	sbr.rel $0x88, $3  }
0x1: {  	(tag) =	ssettag $0x0;
	lr =	simm.s32 $0x1  }
0x2: {  	[smem:$0x3F9A] =	sst lr;
	_ =	strace $0xD0000000  }
0x3: {  	_ = 	snop  }
0x4: {  	_ = 	snop  }
0x5: {  	_ = 	snop  }
0x6: {  	_ = 	snop  }
0x7: {  	_ = 	snop  }
__scs_overlays_trampoline_lowered:
0x8: {  	[smem:$0x3FA9] =	sst s0  }
0x9: {  	[smem:$0x3FAA] =	sst s1  }
0xa: {  	[smem:$0x3FAB] =	sst s2  }
0xb: {  	[smem:$0x3FAC] =	sst s3  }
0xc: {  	[smem:$0x3FAD] =	sst s4  }
0xd: {  	[smem:$0x3FAE] =	sst s5  }
0xe: {  	[smem:$0x3FAF] =	sst s6  }
0xf: {  	[smem:$0x3FB0] =	sst s7  }
0x10: {  	[smem:$0x3FB1] =	sst s8  }
0x11: {  	[smem:$0x3FB2] =	sst s9;
	s0 =	simm.s32 @!p0 $0x0  }
0x12: {  	s1 =	sld [smem:$0x3F98];
	s0 =	simm.s32 @p0 $0x1  }
0x13: {  	[smem:$0x3FB3] =	sst s0;
	s0 =	simm.s32 @!p1 $0x0  }
0x14: {  	s2 =	sld [smem:$0x3F97];
	s0 =	simm.s32 @p1 $0x1  }
0x15: {  	[smem:$0x3FB4] =	sst s0;
	s0 =	simm.s32 @!p2 $0x0  }
0x16: {  	s3 =	sld [smem:$0x3FDB];
	s0 =	simm.s32 @p2 $0x1  }
0x17: {  	s4 =	simm.s32 $0x1BF5;
	[smem:$0x3FB6] =	sst s0  }
0x18: {  	s0 =	sld [smem:$0x3F99];
	_ =	swait.ge [sflag:s4], $0x0  }
0x19: {  	s7 =	sld [smem:$0x3F9A]  }
0x1a: {  	s8 =	sadd.s32 $0xFFFFE003, lr  }
0x1b: {  	s9 =	sadd.s32 $0xFFFFFEF7, lr;
	s5 =	simm.s32 $0xFFFFFFFF;
	p2 =	slt.u32 s8, $0xFFFFF086  }
0x1c: {  	p1 =	slt.u32 s9, $0xF7A;
	s5 =	simm.s32 @!p2 $0x0  }
0x1d: {  	s5 =	simm.s32 @p1 $0x1;
	p0 =	seq.s32 s7, s2  }
0x1e: {  	s7 =	smul.u32 @!p0 $0xF7A, s2;
	p2 =	seq.s32 @!p0 s5, $0x0  }
0x1f: {  	s9 =	smul.u32 $0xF7A, s1;
	s8 =	simm.s32 @!p0 $0x1BF5;
	p2 =	por !p2, p0  }
0x20: {  	[sflag:s8] =	ssyncset.s32 @!p0 $0xFFFFF086;
	s6 =	sadd.s32 @!p0 s3, s7;
	s7 =	simm.s32 @!p0 $0x108  }
0x21: {  	s3 =	sadd.s32 s3, s9;
	s6 =	sadd.s32 @!p0 $0x88, s6;
	s7 =	simm.s32 @p2 $0x1082  }
0x22: {  	[simem:s7], [sflag:s8] =	dma.local @!p0 [hbm:s6], $0xF7A  }
0x23: {  	s9 =	sor.u32 $0xD0000000, s2;
	s6 =	simm.s32 $0x108;
	_ =	swait.ge @!p0 [sflag:s8], $0x0  }
0x24: {  	s3 =	sadd.s32 $0x88, s3;
	s6 =	simm.s32 @!p1 $0x1082;
	[sflag:s4] =	ssyncset.s32 $0xFFFFF086  }
0x25: {  	[simem:s6], [sflag:s4] =	dma.local [hbm:s3], $0xF7A  }
0x26: {  	[smem:$0x3F9A] =	sst s1;
	(tag) =	ssettag s2;
	_ =	strace s9  }
0x27: {  	s1 =	sld [smem:$0x3FAA]  }
0x28: {  	s2 =	sld [smem:$0x3FAB]  }
0x29: {  	s4 =	sld [smem:$0x3FAD]  }
0x2a: {  	p0 =	seq.s32 s5, $0x0;
	s5 =	sld [smem:$0x3FAE]  }
0x2b: {  	s6 =	sld [smem:$0x3FAF]  }
0x2c: {  	s7 =	sld [smem:$0x3FB0]  }
0x2d: {  	s3 =	simm.s32 $0x108;
	s8 =	sld [smem:$0x3FB1]  }
0x2e: {  	s3 =	simm.s32 @!p0 $0x1082;
	s9 =	sld [smem:$0x3FB2]  }
0x2f: {  	lr =	sadd.s32 s0, s3;
	s0 =	sld [smem:$0x3FA9]  }
0x30: {  	s3 =	sld [smem:$0x3FAC]  }
0x31: {  	[smem:$0x3FB5] =	sst s10  }
0x32: {  	s10 =	sld [smem:$0x3FB3];
	_ =	sdelay $0x3  }
0x33: {  	p0 =	seq.s32 s10, $0x1;
	s10 =	sld [smem:$0x3FB5];
	_ =	sdelay $0x3  }
0x34: {  	[smem:$0x3FB5] =	sst s10  }
0x35: {  	s10 =	sld [smem:$0x3FB4];
	_ =	sdelay $0x3  }
0x36: {  	p1 =	seq.s32 s10, $0x1;
	s10 =	sld [smem:$0x3FB5];
	_ =	sdelay $0x3  }
0x37: {  	[smem:$0x3FB5] =	sst s10  }
0x38: {  	s10 =	sld [smem:$0x3FB6]  }
0x39: {  	_ = 	snop;
	(pc) =	sbr.ind lr, $3  }
0x3a: {  	_ = 	snop  }
0x3b: {  	_ = 	snop  }
0x3c: {  	p2 =	seq.s32 s10, $0x1;
	s10 =	sld [smem:$0x3FB5]  }
0x3d: {  	_ =	shalt  }
0x3e: {  	_ =	shalt  }
0x3f: {  	_ =	shalt  }
0x40: {  	_ =	shalt  }
0x41: {  	_ =	shalt  }
0x42: {  	_ =	shalt  }
0x43: {  	_ =	shalt  }
0x44: {  	_ =	shalt  }
0x45: {  	_ =	shalt  }
0x46: {  	_ =	shalt  }
0x47: {  	_ =	shalt  }
0x48: {  	_ =	shalt  }
0x49: {  	_ =	shalt  }
0x4a: {  	_ =	shalt  }
0x4b: {  	_ =	shalt  }
0x4c: {  	_ =	shalt  }
0x4d: {  	_ =	shalt  }
0x4e: {  	_ =	shalt  }
0x4f: {  	_ =	shalt  }
0x50: {  	_ =	shalt  }
0x51: {  	_ =	shalt  }
0x52: {  	_ =	shalt  }
0x53: {  	_ =	shalt  }
0x54: {  	_ =	shalt  }
0x55: {  	_ =	shalt  }
0x56: {  	_ =	shalt  }
0x57: {  	_ =	shalt  }
0x58: {  	_ =	shalt  }
0x59: {  	_ =	shalt  }
0x5a: {  	_ =	shalt  }
0x5b: {  	_ =	shalt  }
0x5c: {  	_ =	shalt  }
0x5d: {  	_ =	shalt  }
0x5e: {  	_ =	shalt  }
0x5f: {  	_ =	shalt  }
0x60: {  	_ =	shalt  }
0x61: {  	_ =	shalt  }
0x62: {  	_ =	shalt  }
0x63: {  	_ =	shalt  }
0x64: {  	_ =	shalt  }
0x65: {  	_ =	shalt  }
0x66: {  	_ =	shalt  }
0x67: {  	_ =	shalt  }
0x68: {  	_ =	shalt  }
0x69: {  	_ =	shalt  }
0x6a: {  	_ =	shalt  }
0x6b: {  	_ =	shalt  }
0x6c: {  	_ =	shalt  }
0x6d: {  	_ =	shalt  }
0x6e: {  	_ =	shalt  }
0x6f: {  	_ =	shalt  }
0x70: {  	_ =	shalt  }
0x71: {  	_ =	shalt  }
0x72: {  	_ =	shalt  }
0x73: {  	_ =	shalt  }
0x74: {  	_ =	shalt  }
0x75: {  	_ =	shalt  }
0x76: {  	_ =	shalt  }
0x77: {  	_ =	shalt  }
0x78: {  	_ =	shalt  }
0x79: {  	_ =	shalt  }
0x7a: {  	_ =	shalt  }
0x7b: {  	_ =	shalt  }
0x7c: {  	_ =	shalt  }
0x7d: {  	_ =	shalt  }
0x7e: {  	_ =	shalt  }
0x7f: {  	_ =	shalt  }
0x80: {  	_ =	shalt  }
0x81: {  	_ =	shalt  }
0x82: {  	_ =	shalt  }
0x83: {  	_ =	shalt  }
0x84: {  	_ =	shalt  }
0x85: {  	_ =	shalt  }
0x86: {  	_ =	shalt  }
0x87: {  	_ =	shalt  }
.Lfunc_end0:
.L_simem_size_0:
called_computation_lowered:
.L_overlay_start_0:
0x88: {  	s0 =	sld [smem:$0x3FD9]  }
0x89: {  	s1 =	sld [smem:$0x3FFE];
	_ =	sdelay $0x3  }
0x8a: {  	s0 =	sadd.s32 s1, s0  }
0x8b: {  	[smem:$0x3FC1] =	sst s0  }
0x8c: {  	_ = 	snop  }
0x8d: {  	s0 =	sld [smem:$0x3FC9]  }
0x8e: {  	s16 =	sld [smem:$0x3FC8]  }
0x8f: {  	s2 =	sld [smem:$0x3FC7]  }
0x90: {  	s3 =	sld [smem:$0x3FC6]  }
0x91: {  	s4 =	sld [smem:$0x3FC3]  }
0x92: {  	s5 =	sld [smem:$0x3FD0];
	(tm) =	ssettm $0x1  }
0x93: {  	s6 =	sld [smem:$0x3FFB];
	_ =	sdelay $0x3  }
0x94: {  	_ =	strace s6  }
0x95: {  	s6 =	sld [smem:$0x3FFC];
	_ =	sdelay $0x3  }
0x96: {  	_ =	strace s6  }
0x97: {  	s6 =	sld [smem:$0x3FFD];
	_ =	sdelay $0x3  }
0x98: {  	_ =	strace s6  }
0x99: {  	_ =	strace $0x8FFFFFFF  }
0x9a: {  	s17 =	sld [smem:$0x3FDB];
	_ =	sdelay $0x1  }
0x9b: {  	s7 =	simm.s32 $_scs_section_size  }
0x9c: {  	s8 =	simm.s32 $_size__tile_overlayer_lowered;
	s9 =	simm.s32 $_tile_overlayer_lowered  }
0x9d: {  	s20 =	simm.s32 $0x1BFF;
	s19 =	sshll.u32 s9, $0x1;
	s6 =	sadd.s32 s7, s17  }
0x9e: {  	s10 =	simm.s32 $0x0;
	s18 =	sshll.u32 s8, $0x1;
	s8 =	sadd.s32 s19, s6  }
0x9f: {  	[timem:s10], [sflag:s20] =	dma.local [hbm:s8], s18  }
0xa0: {  	_ =	swait.ge [sflag:s20], s18  }
0xa1: {  	s7 =	ssub.s32 $0x0, s18;
	[sflag:s20] =	ssyncset.done $0x0  }
0xa2: {  	[sflag:s20] =	ssyncadd.s32 s7;
	_ =	sdelay $0x1  }
0xa3: {  	s21 =	simm.s32 $0x1B8B  }
0xa4: {  	_ =	swait.ge [sflag:s21], $0x1  }
0xa5: {  	[sflag:s21] =	ssyncset.done $0x0  }
0xa6: {  	s23 =	simm.s32 $0x1B8E;
	s22 =	sld [smem:$0x3FFE];
	[sflag:s21] =	ssyncadd.s32 $0xFFFFFFFF  }
0xa7: {  	s24 =	simm.s32 $execute0_lowered;
	[smem:$0x3FD2] =	sst s23  }
0xa8: {  	s8 =	sshll.u32 s24, $0x1;
	_ =	strace $0x80000046;
	[dreg:$0x1] =	wrdreg $0xFFFFFFFF  }
0xa9: {  	s25 =	simm.s32 $_size_execute0_lowered;
	s6 =	sadd.s32 s6, s8;
	[dreg:$0x0] =	wrdreg $0x0  }
0xaa: {  	s8 =	sshll.u32 s25, $0x1;
	[dreg:$0x2] =	wrdreg s6  }
0xab: {  	[dreg:$0x3] =	wrdreg s8  }
0xac: {  	[dreg:$0x4] =	wrdreg $0xC0  }
0xad: {  	_ =	task [dreg:s10], $0x5FFFF  }
0xae: {  	[dreg:$0x1] =	wrdreg $0xFFFFFFFF  }
0xaf: {  	[dreg:$0x0] =	wrdreg $0x60  }
0xb0: {  	[dreg:$0x2] =	wrdreg s0  }
0xb1: {  	[dreg:$0x3] =	wrdreg s16  }
0xb2: {  	[dreg:$0x4] =	wrdreg s2  }
0xb3: {  	[dreg:$0x5] =	wrdreg s3  }
0xb4: {  	[dreg:$0x6] =	wrdreg s22  }
0xb5: {  	[dreg:$0x7] =	wrdreg s4  }
0xb6: {  	[dreg:$0x8] =	wrdreg s5  }
0xb7: {  	[dreg:$0x9] =	wrdreg $0xEE800  }
0xb8: {  	[dreg:$0xa] =	wrdreg $0x9  }
0xb9: {  	_ =	task.clear_ibuf [dreg:s10], $0xBFFFF;
	_ =	strace $0x90000046  }
0xba: {  	s26 =	simm.s32 $0x9;
	_ =	strace $0x80000048  }
0xbb: {  	_ =	swait.ge [sflag:s26], $0x1  }
0xbc: {  	[sflag:s26] =	ssyncadd.s32 $0xFFFFFFFF  }
0xbd: {  	_ =	strace $0x90000048  }
0xbe: {  	_ =	sfence  }
0xbf: {  	s28 =	sld [smem:$0x0];
	_ =	sdelay $0x1  }
0xc0: {  	s29 =	srdreg.scid  }
0xc1: {  	s30 =	sshll.u32 s29, $0xD;
	s31 =	sshrl.u32 s29, $0x2  }
0xc2: {  	s1 =	sand.u32 $0x1, s29;
	s2 =	sand.u32 $0x4000, s30;
	s0 =	sadd.s32 s31, s28  }
0xc3: {  	s1 =	sor.u32 s2, s1;
	s0 =	sshll.u32 s0, $0x11  }
0xc4: {  	s0 =	sor.u32 s0, s1  }
0xc5: {  	s0 =	sadd.s32 $0x8F2B, s0  }
0xc6: {  	[sflag:s0] =	ssyncadd.remote.s32 $0x1  }
0xc7: {  	_ =	sfence.sel $0xFFFF  }
0xc8: {  	[dreg:$0x0] =	wrdreg $0xFFFFFFFF;
	(pc) =	sbr.abs _section_cstart, $3  }
0xc9: {  	[dreg:$0x1] =	wrdreg $0xFFFFFFFF  }
0xca: {  	_ =	task.clear_ibuf [dreg:s10], $0x2FFFF;
	_ =	strace $0x9FFFFFFF  }
0xcb: {  	(tm) =	ssettm $0x7FFFFFFF  }
tec
execute0_lowered:
.L_overlay_start_1:
0x0: {  	(tag) =	ssettag $0x1  }
0x1: {  	s5 =	rddreg [dreg:$0x0]  }
0x2: {  	s6 =	rddreg [dreg:$0x1]  }
0x3: {  	s8 =	rddreg [dreg:$0x2]  }
0x4: {  	s9 =	rddreg [dreg:$0x3]  }
0x5: {  	s10 =	rddreg [dreg:$0x4]  }
0x6: {  	s11 =	rddreg [dreg:$0x5]  }
0x7: {  	s1 =	rddreg [dreg:$0x6]  }
0x8: {  	s2 =	rddreg [dreg:$0x7]  }
0x9: {  	s0 =	rddreg [dreg:$0x8];
	s7 =	simm.s32 $0x0;
	s3 =	stileid.u32  }
0xa: {  	[smem:$0x7FF] =	sst s7;
	s12 =	sshll.u32 s3, $0x8  }
0xb: {  	s14 =	sshll.u32 s3, $0xB;
	s4 =	sshll.u32 s3, $0x9;
	s15 =	sshll.u32 s3, $0x7  }
0xc: {  	s16 =	sshll.u32 s3, $0xC;
	_ =	strace $0x80000047;
	s13 =	sadd.s32 s12, s10  }
0xd: {  	s5 =	sadd.s32 s5, s14;
	s19 =	sand.u32 $0x1000, s4;
	s20 =	sand.u32 $0x380, s15  }
0xe: {  	[tilespmem:s7], [sflag:$0x1] =	stream.linear.gather [hbm4b:s5+s7], $0x4000, $0x38;
	[tilespmem:$0xEF00] =	vst v63  }
0xf: {  	s21 =	sadd.s32 s6, s16;
	s6 =	simm.s32 $0x4000;
	s5 =	sor.u32 s20, s19  }
0x10: {  	[tilespmem:s6], [sflag:$0x1] =	stream.linear.gather [hbm4b:s21+s7], $0x8000, $0x38;
	[tilespmem:$0xEF00] =	vst v63  }
0x11: {  	s12 =	sadd.s32 s8, s12;
	s8 =	simm.s32 $0xC000;
	s5 =	sshrl.u32 s5, $0x3  }
0x12: {  	[tilespmem:s8], [sflag:$0x1] =	stream.linear.gather [hbm4b:s12+s7], $0x800, $0x38;
	[tilespmem:$0xEF00] =	vst v63  }
0x13: {  	s22 =	sadd.s32 $0x800, s13;
	s10 =	sadd.s32 s5, s10;
	s5 =	simm.s32 $0xD800  }
0x14: {  	[tilespmem:s5], [sflag:$0x1] =	stream.linear.gather [hbm4b:s22+s7], $0x800, $0x38;
	[tilespmem:$0xEF00] =	vst v63  }
0x15: {  	s23 =	simm.s32 $0xC800;
	s24 =	simm.s32 $0x80;
	s9 =	sadd.s32 s9, s4  }
0x16: {  	[tilespmem:s23], [sflag:$0x2] =	stream.linear.gather [hbm4b:s9+s7], $0x1000, $0x38;
	[tilespmem:$0xEF00] =	vst v63  }
0x17: {  	s25 =	simm.s32 $0x400;
	s26 =	simm.s32 $0xE000;
	s10 =	sadd.s32 $0x400, s10  }
0x18: {  	[tilespmem:s26], [sflag:$0x2] =	stream.strided.gather [hbm4b:s10+s24], $0x200, s25, s24, $0x38;
	[tilespmem:$0xEF00] =	vst v63  }
0x19: {  	s29 =	simm.s32 $0xE200;
	s30 =	simm.s32 $0x1;
	s28 =	sadd.s32 s11, s15  }
0x1a: {  	[tilespmem:s29], [sflag:$0x2] =	stream.linear.gather [hbm4b:s28+s7], $0x400, $0x38;
	[tilespmem:$0xEF00] =	vst v63  }
0x1b: {  	_ =	swait.ge [sflag:s30], $0x4000  }
0x1c: {  	[sflag:s30] =	ssyncset.done $0x0  }
0x1d: {  	[sflag:s30] =	ssyncadd.s32 $0xFFFFC000  }
0x1e: {  	_ =	swait.ge [sflag:s30], $0x8000  }
0x1f: {  	v7 =	vlaneseq.u32;
	v0 =	vmov s7;
	[sflag:s30] =	ssyncset.done $0x0  }
0x20: {  	v1 =	vor.u32 s7, v7;
	v0 =	vshll.u32 v0, $0x2;
	[sflag:s30] =	ssyncadd.s32 $0xFFFF8000  }
0x21: {  	v1 =	vand.u32 $0x7F, v1;
	v0 =	vand.u32 $0x600, v0;
	_ =	swait.ge [sflag:s30], $0x800  }
0x22: {  	v0 =	vor.u32 v1, v0;
	[sflag:s30] =	ssyncset.done $0x0  }
0x23: {  	v1 =	vor.u32 $0x80, v0;
	[sflag:s30] =	ssyncadd.s32 $0xFFFFF800  }
0x24: {  	_ =	swait.ge [sflag:s30], $0x800  }
0x25: {  	v4 =	vor.u32 $0x100, v0;
	[sflag:s30] =	ssyncset.done $0x0  }
0x26: {  	[sflag:s30] =	ssyncadd.s32 $0xFFFFF800  }
0x27: {  	v5 =	vor.u32 $0x180, v0;
	v2 =	vld.idx.msk [tilespmem:v0+s8+$0x0], $0xffff  }
0x28: {  	v3 =	vld.idx.msk [tilespmem:v1+s8+$0x0], $0xffff;
	_ =	sdelay $0x1  }
0x29: {  	v6 =	vld.idx.msk [tilespmem:v4+s8+$0x0], $0xffff;
	_ =	sdelay $0x1  }
0x2a: {  	v8 =	vld.idx.msk [tilespmem:v5+s8+$0x0], $0xffff;
	_ =	sdelay $0x2  }
0x2b: {  	v9 =	vld.idx.msk [tilespmem:v2+s7+$0x0], $0xffff  }
0x2c: {  	v10 =	vld.idx.msk [tilespmem:v3+s7+$0x0], $0xffff;
	_ =	sdelay $0x1  }
0x2d: {  	v11 =	vld.idx.msk [tilespmem:v6+s7+$0x0], $0xffff  }
0x2e: {  	v0 =	vld.idx.msk [tilespmem:v0+s5+$0x0], $0xffff  }
0x2f: {  	v14 =	vadd.s32 $0x4000, v2;
	v16 =	vadd.s32 $0x4000, v3;
	v12 =	vld.idx.msk [tilespmem:v8+s7+$0x0], $0xffff  }
0x30: {  	v17 =	vld.idx.msk [tilespmem:v3+s6+$0x0], $0xffff;
	v13 =	vadd.f32 v10, v9;
	v3 =	vmul.f32 $1.442695020e+00, v10;
	v10 =	vadd.s32 $0x4000, v6  }
0x31: {  	v15 =	vadd.s32 $0x4000, v8;
	v8 =	vld.idx.msk [tilespmem:v8+s6+$0x0], $0xffff;
	v9 =	vmul.f32 $1.442695020e+00, v9  }
0x32: {  	v2 =	vld.idx.msk [tilespmem:v2+s6+$0x0], $0xffff;
	v13 =	vadd.f32 v11, v13  }
0x33: {  	v6 =	vld.idx.msk [tilespmem:v6+s6+$0x0], $0xffff;
	(erf) = vpow2.f32 v9  }
0x34: {  	s31 =	simm.s32 $0x10;
	(erf) = vpow2.f32 v3;
	v9 =	vadd.f32 v12, v13;
	v13 =	vld.idx.msk [tilespmem:v14+s6+$0x0], $0xffff  }
0x35: {  	v33 =	vmov s31;
	v35 =	vor.u32 s31, v7;
	v10 =	vld.idx.msk [tilespmem:v10+s6+$0x0], $0xffff  }
0x36: {  	v33 =	vshll.u32 v33, $0x2;
	v3 =	vmul.f32 $2.500000000e-01, v9;
	v9 =	vmul.f32 $1.442695020e+00, v11;
	v11 =	vld.idx.msk [tilespmem:v15+s6+$0x0], $0xffff  }
0x37: {  	v35 =	vand.u32 $0x7F, v35;
	v33 =	vand.u32 $0x600, v33;
	v8 =	vadd.f32 $1.000000000e+00, v8;
	v15 =	vld.idx.msk [tilespmem:v16+s6+$0x0], $0xffff  }
0x38: {  	v16 =	vadd.f32 $0.0e+00, v2;
	v2 =	vld.idx.msk [tilespmem:v1+s5+$0x0], $0xffff;
	v14 =	vmul.f32 $1.442695020e+00, v3;
	v3 =	vimm.f32 $0.0e+00  }
0x39: {  	v12 =	vmul.f32 $1.442695020e+00, v12;
	(erf) = vpow2.f32 v9;
	v9 =	vadd.f32 v0, v3  }
0x3a: {  	(erf) = vpow2.f32 v14;
	v14 =	vadd.f32 $0.0e+00, v6;
	v6 =	vadd.f32 $0.0e+00, v13  }
0x3b: {  	v33 =	vor.u32 v35, v33;
	v13 =	vadd.f32 $1.000000000e+00, v17;
	v22 =	vadd.f32 $1.000000000e+00, v10  }
0x3c: {  	v11 =	vadd.f32 $1.000000000e+00, v11;
	v17 =	vpop (erf);
	v15 =	vadd.f32 $0.0e+00, v15;
	(erf) = vpow2.f32 v12  }
0x3d: {  	v9 =	vadd.f32 v2, v9;
	v18 =	vmul.f32 v17, v17;
	v19 =	vmul.f32 $5.000000000e-01, v17;
	v10 =	vpop (erf)  }
0x3e: {  	v1 =	vmul.f32 $4.099999960e-01, v17;
	v12 =	vadd.f32 v13, v16;
	v17 =	vmul.f32 $4.099999960e-01, v10  }
0x3f: {  	v20 =	vadd.f32 v15, v6;
	v25 =	vmul.f32 v10, v10;
	v18 =	vmul.f32 $4.099999960e-01, v18  }
0x40: {  	v21 =	vadd.f32 v19, v16;
	v23 =	vmul.f32 $5.000000000e-01, v1;
	v1 =	vld.idx.msk [tilespmem:v4+s5+$0x0], $0xffff;
	v4 =	vsub.f32 v16, v19  }
0x41: {  	v16 =	vmul.f32 $5.000000000e-01, v10;
	v10 =	vadd.f32 v14, v12;
	v20 =	vadd.f32 v22, v20  }
0x42: {  	v26 =	vadd.f32 v23, v6;
	v23 =	vsub.f32 v6, v23;
	v6 =	vmul.f32 $5.000000000e-01, v17;
	v19 =	vpop (erf)  }
0x43: {  	v17 =	vadd.f32 v8, v10;
	v12 =	vmul.f32 $4.099999960e-01, v19;
	v31 =	vmul.f32 $5.000000000e-01, v19;
	v24 =	vpop (erf)  }
0x44: {  	v20 =	vadd.f32 v11, v20;
	v19 =	vmul.f32 v19, v19;
	v28 =	vmul.f32 v24, v24  }
0x45: {  	v29 =	vadd.f32 v6, v15;
	v27 =	vmul.f32 $4.099999960e-01, v24;
	v12 =	vmul.f32 $5.000000000e-01, v12  }
0x46: {  	v24 =	vmul.f32 $5.000000000e-01, v24;
	v10 =	vmul.f32 $4.099999960e-01, v28;
	v28 =	vadd.f32 v1, v9  }
0x47: {  	v9 =	vmul.f32 $2.500000000e-01, v17;
	v17 =	vsub.f32 v13, v16;
	v13 =	vadd.f32 v16, v13;
	v16 =	vpop (erf)  }
0x48: {  	v15 =	vsub.f32 v15, v6;
	v30 =	vmul.f32 $4.099999960e-01, v16;
	v34 =	vmul.f32 $5.000000000e-01, v16  }
0x49: {  	v6 =	vor.u32 $0x180, v33;
	v37 =	vmul.f32 v16, v16;
	v16 =	vmul.f32 $2.500000000e-01, v20  }
0x4a: {  	v36 =	vsub.f32 v9, v24;
	v20 =	vadd.f32 v24, v9;
	v9 =	vor.u32 $0x80, v33  }
0x4b: {  	v27 =	vmul.f32 $5.000000000e-01, v27;
	v32 =	vadd.f32 v12, v22;
	v55 =	vsub.f32 v8, v34  }
0x4c: {  	v24 =	vmax.f32 v4, v36;
	v4 =	vadd.f32 v34, v8;
	v8 =	vor.u32 $0x100, v33  }
0x4d: {  	v19 =	vmul.f32 $4.099999960e-01, v19;
	v12 =	vsub.f32 v22, v12;
	v56 =	vadd.f32 v27, v16  }
0x4e: {  	v38 =	vmax.f32 v17, v36;
	v17 =	vadd.f32 v31, v14;
	v31 =	vsub.f32 v14, v31;
	v14 =	vld.idx.msk [tilespmem:v33+s8+$0x0], $0xffff  }
0x4f: {  	v27 =	vsub.f32 v16, v27;
	v16 =	vmul.f32 $5.000000000e-01, v30;
	v39 =	vmin.f32 v21, v20;
	v30 =	vld.idx.msk [tilespmem:v9+s8+$0x0], $0xffff  }
0x50: {  	v13 =	vmin.f32 v13, v20;
	v40 =	vmin.f32 v32, v56;
	v21 =	vmin.f32 v4, v20;
	v4 =	vld.idx.msk [tilespmem:v5+s5+$0x0], $0xffff  }
0x51: {  	v57 =	vsub.f32 v11, v16;
	v11 =	vadd.f32 v16, v11;
	v16 =	vmax.f32 v23, v27;
	v58 =	vld.idx.msk [tilespmem:v8+s8+$0x0], $0xffff  }
0x52: {  	v23 =	vld.idx.msk [tilespmem:v6+s8+$0x0], $0xffff;
	v42 =	vmax.f32 v15, v27;
	v15 =	vmul.f32 $4.099999960e-01, v37;
	v39 =	vsub.f32 v39, v24  }
0x53: {  	v34 =	vmin.f32 v29, v56;
	v13 =	vsub.f32 v13, v38;
	v12 =	vmax.f32 v12, v27  }
0x54: {  	v5 =	vmin.f32 v26, v56;
	v26 =	vmin.f32 v17, v20;
	v17 =	vmax.f32 v55, v36  }
0x55: {  	v41 =	vsub.f32 v21, v17;
	v21 =	vmax.f32 v57, v27;
	v17 =	vadd.f32 v10, v19  }
0x56: {  	v11 =	vmin.f32 v11, v56;
	v19 =	vsub.f32 v5, v16;
	v44 =	vadd.f32 v4, v28;
	v28 =	vld.idx.msk [tilespmem:v14+s7+$0x0], $0xffff  }
0x57: {  	v16 =	vadd.f32 v10, v18;
	v18 =	vmax.f32 v31, v36;
	v61 =	vadd.f32 v10, v15;
	v59 =	vld.idx.msk [tilespmem:v30+s7+$0x0], $0xffff  }
0x58: {  	v5 =	vld.idx.msk [tilespmem:v33+s5+$0x0], $0xffff;
	v15 =	vmax.f32 v13, $0.0e+00;
	v27 =	vmax.f32 v39, $0.0e+00;
	v11 =	vsub.f32 v11, v21  }
0x59: {  	v13 =	vsub.f32 v40, v12;
	v26 =	vsub.f32 v26, v18;
	v43 =	vadd.s32 $0x4000, v14;
	v31 =	vld.idx.msk [tilespmem:v58+s7+$0x0], $0xffff  }
0x5a: {  	v22 =	vmax.f32 v41, $0.0e+00;
	v60 =	vadd.s32 $0x4000, v23;
	v11 =	vmax.f32 v11, $0.0e+00;
	v24 =	vld.idx.msk [tilespmem:v23+s7+$0x0], $0xffff  }
0x5b: {  	v29 =	vmax.f32 v26, $0.0e+00;
	v11 =	vmul.f32 v11, v22;
	v22 =	vmul.f32 $4.099999960e-01, v25;
	v23 =	vld.idx.msk [tilespmem:v23+s6+$0x0], $0xffff  }
0x5c: {  	v25 =	vsub.f32 v34, v42;
	v20 =	vadd.s32 $0x4000, v30;
	v18 =	vld.idx.msk [tilespmem:v30+s6+$0x0], $0xffff;
	v26 =	vadd.f32 v59, v28  }
0x5d: {  	v63 =	vsub.f32 v61, v11;
	v12 =	vadd.f32 v5, v44;
	v62 =	vmul.f32 $1.442695020e+00, v28;
	v30 =	vld.idx.msk [tilespmem:v58+s6+$0x0], $0xffff  }
0x5e: {  	v21 =	vadd.s32 $0x4000, v58;
	v32 =	vmul.f32 $1.442695020e+00, v59;
	v28 =	vld.idx.msk [tilespmem:v43+s6+$0x0], $0xffff;
	v33 =	vadd.f32 v31, v26  }
0x5f: {  	s9 =	simm.s32 $0x20;
	v34 =	vadd.f32 $9.999999970e-07, v63;
	(erf) = vpow2.f32 v62;
	v26 =	vmul.f32 $1.442695020e+00, v31;
	v31 =	vld.idx.msk [tilespmem:v60+s6+$0x0], $0xffff  }
.LBB2_1:
0x60: {  	p0 =	sne.s32 s9, $0x1F0;
	v33 =	vadd.f32 v24, v33;
	(erf) = vpow2.f32 v32;
	v13 =	vmax.f32 v13, $0.0e+00;
	s10 =	smov.u32 s9;
	s9 =	sadd.s32 $0x10, s9  }
0x61: {  	v29 =	vmul.f32 v13, v29;
	(erf) = vrcp.f32 v34  }
0x62: {  	v24 =	vmul.f32 $1.442695020e+00, v24;
	v19 =	vmax.f32 v19, $0.0e+00;
	v13 =	vld.idx.msk [tilespmem:v14+s6+$0x0], $0xffff;
	v32 =	vmul.f32 $2.500000000e-01, v33  }
0x63: {  	v19 =	vmul.f32 v19, v27;
	v14 =	vadd.f32 $0.0e+00, v30;
	v21 =	vld.idx.msk [tilespmem:v21+s6+$0x0], $0xffff;
	v27 =	vsub.f32 v17, v29  }
0x64: {  	v23 =	vadd.f32 $1.000000000e+00, v23;
	v28 =	vadd.f32 $0.0e+00, v28;
	v20 =	vld.idx.msk [tilespmem:v20+s6+$0x0], $0xffff;
	v30 =	vmul.f32 $1.442695020e+00, v32  }
0x65: {  	v17 =	vadd.f32 $1.000000000e+00, v31;
	(erf) = vpow2.f32 v26;
	v26 =	vadd.f32 $9.999999970e-07, v27  }
0x66: {  	v16 =	vsub.f32 v16, v19;
	v27 =	vadd.f32 $1.000000000e+00, v18;
	(erf) = vpow2.f32 v30  }
0x67: {  	v10 =	vadd.f32 v10, v22;
	v18 =	vmax.f32 v25, $0.0e+00;
	(erf) = vrcp.f32 v26  }
0x68: {  	v25 =	vadd.f32 $9.999999970e-07, v16;
	v13 =	vadd.f32 $0.0e+00, v13;
	v26 =	vmul.f32 v18, v15;
	v22 =	vpop (erf)  }
0x69: {  	v15 =	vadd.f32 $1.000000000e+00, v21;
	v16 =	vmul.f32 v22, v22;
	v21 =	vmul.f32 $5.000000000e-01, v22;
	v30 =	vpop (erf)  }
0x6a: {  	v20 =	vadd.f32 $0.0e+00, v20;
	v10 =	vsub.f32 v10, v26;
	v31 =	vld.idx.msk [tilespmem:v9+s5+$0x0], $0xffff;
	v9 =	vmul.f32 $4.099999960e-01, v22;
	v22 =	vpop (erf)  }
0x6b: {  	v32 =	vadd.f32 v27, v13;
	v33 =	vmul.f32 $4.099999960e-01, v30;
	(erf) = vpow2.f32 v24  }
0x6c: {  	v24 =	vadd.f32 v20, v28;
	v16 =	vmul.f32 $4.099999960e-01, v16;
	v34 =	vadd.f32 v21, v13  }
0x6d: {  	v18 =	vld.idx.msk [tilespmem:v8+s5+$0x0], $0xffff;
	v8 =	vsub.f32 v13, v21;
	v13 =	vmul.f32 v30, v30;
	v21 =	vmul.f32 $5.000000000e-01, v30  }
0x6e: {  	v35 =	vadd.f32 $9.999999970e-07, v10;
	v9 =	vmul.f32 $5.000000000e-01, v9;
	v30 =	vpop (erf);
	(erf) = vrcp.f32 v25  }
0x6f: {  	v10 =	vadd.f32 v14, v32;
	v11 =	vmul.f32 v22, v11;
	v25 =	vmul.f32 $4.099999960e-01, v30;
	v32 =	vpop (erf)  }
0x70: {  	v22 =	vadd.f32 v9, v28;
	v12 =	vadd.f32 v31, v12;
	v36 =	vmul.f32 $4.099999960e-01, v32;
	v37 =	vpop (erf)  }
0x71: {  	v28 =	vsub.f32 v28, v9;
	v9 =	vmul.f32 $5.000000000e-01, v33;
	v38 =	vmul.f32 v32, v32  }
0x72: {  	v11 =	vsub.f32 $1.000000000e+00, v11;
	v33 =	vadd.f32 v23, v10;
	v36 =	vmul.f32 $5.000000000e-01, v36  }
0x73: {  	v24 =	vadd.f32 v15, v24;
	v10 =	vmul.f32 $4.099999960e-01, v38;
	v12 =	vadd.f32 v18, v12  }
0x74: {  	v33 =	vmul.f32 $2.500000000e-01, v33;
	v38 =	vsub.f32 v27, v21;
	v21 =	vadd.f32 v21, v27;
	v27 =	vpop (erf)  }
0x75: {  	v39 =	vadd.f32 v9, v20;
	v25 =	vmul.f32 $5.000000000e-01, v25;
	(erf) = vrcp.f32 v35  }
0x76: {  	v24 =	vadd.f32 v17, v24;
	v32 =	vmul.f32 $5.000000000e-01, v32;
	v35 =	vmul.f32 $4.099999960e-01, v27  }
0x77: {  	v40 =	vmul.f32 $5.000000000e-01, v30;
	v41 =	vadd.f32 v25, v15;
	v42 =	vmul.f32 $5.000000000e-01, v27;
	v43 =	vpop (erf)  }
0x78: {  	v44 =	vor.u32 s10, v7;
	v20 =	vsub.f32 v20, v9;
	v45 =	vsub.f32 v33, v32  }
0x79: {  	v9 =	vand.u32 $0x7F, v44;
	v29 =	vmul.f32 v37, v29;
	v27 =	vmul.f32 v27, v27  }
0x7a: {  	v24 =	vmul.f32 $2.500000000e-01, v24;
	v32 =	vadd.f32 v32, v33;
	v33 =	vmax.f32 v8, v45  }
0x7b: {  	v8 =	vmov s10;
	v37 =	vsub.f32 v23, v42;
	v19 =	vmul.f32 v43, v19  }
0x7c: {  	v30 =	vmul.f32 v30, v30;
	v8 =	vshll.u32 v8, $0x2;
	v23 =	vadd.f32 v42, v23  }
0x7d: {  	v38 =	vmax.f32 v38, v45;
	v8 =	vand.u32 $0x600, v8;
	v42 =	vadd.f32 v36, v24  }
0x7e: {  	v44 =	vadd.f32 v40, v14;
	v43 =	vor.u32 v9, v8;
	v19 =	vsub.f32 $1.000000000e+00, v19;
	v46 =	vpop (erf)  }
0x7f: {  	v34 =	vmin.f32 v34, v32;
	v9 =	vor.u32 $0x80, v43;
	v8 =	vor.u32 $0x100, v43  }
0x80: {  	v47 =	vor.u32 $0x180, v43;
	v41 =	vmin.f32 v41, v42;
	v26 =	vmul.f32 v46, v26  }
0x81: {  	v40 =	vsub.f32 v14, v40;
	v23 =	vmin.f32 v23, v32;
	v46 =	vmul.f32 v19, v0;
	v0 =	vmovc v5  }
0x82: {  	v36 =	vsub.f32 v24, v36;
	v19 =	vmul.f32 $5.000000000e-01, v35;
	v24 =	vsub.f32 $1.000000000e+00, v26;
	v5 =	vld.idx.msk [tilespmem:v6+s5+$0x0], $0xffff;
	v6 =	vmovc v47  }
0x83: {  	v22 =	vmin.f32 v22, v42;
	v35 =	vmax.f32 v37, v45;
	v26 =	vmin.f32 v44, v32;
	v14 =	vld.idx.msk [tilespmem:v43+s8+$0x0], $0xffff  }
0x84: {  	v32 =	vmin.f32 v21, v32;
	v21 =	vsub.f32 v17, v19;
	v24 =	vmul.f32 v24, v2;
	v37 =	vld.idx.msk [tilespmem:v9+s8+$0x0], $0xffff  }
0x85: {  	v30 =	vmul.f32 $4.099999960e-01, v30;
	v28 =	vmax.f32 v28, v36;
	v19 =	vadd.f32 v19, v17;
	v2 =	vmovc v31;
	v44 =	vld.idx.msk [tilespmem:v8+s8+$0x0], $0xffff  }
0x86: {  	v23 =	vsub.f32 v23, v35;
	v35 =	vmul.f32 v11, v4;
	v21 =	vmax.f32 v21, v36;
	v31 =	vld.idx.msk [tilespmem:v47+s8+$0x0], $0xffff  }
0x87: {  	v29 =	vsub.f32 $1.000000000e+00, v29;
	v17 =	vadd.f32 v10, v30;
	v11 =	vmin.f32 v19, v42  }
0x88: {  	v3 =	vadd.f32 v46, v3;
	v19 =	vsub.f32 v22, v28;
	v47 =	vmax.f32 v20, v36;
	v4 =	vmovc v5  }
0x89: {  	v16 =	vadd.f32 v10, v16;
	v28 =	vadd.s32 $0x4000, v14;
	v12 =	vadd.f32 v4, v12  }
0x8a: {  	v11 =	vsub.f32 v11, v21;
	v3 =	vadd.f32 v3, v24;
	v20 =	vadd.s32 $0x4000, v37;
	v5 =	vld.idx.msk [tilespmem:v43+s5+$0x0], $0xffff  }
0x8b: {  	v24 =	vmul.f32 $4.099999960e-01, v27;
	v27 =	vmul.f32 v29, v1;
	v1 =	vmovc v18;
	v21 =	vadd.s32 $0x4000, v44;
	v22 =	vld.idx.msk [tilespmem:v14+s7+$0x0], $0xffff  }
0x8c: {  	v33 =	vsub.f32 v34, v33;
	v29 =	vmax.f32 v40, v45;
	v43 =	vadd.s32 $0x4000, v31;
	v30 =	vld.idx.msk [tilespmem:v37+s7+$0x0], $0xffff  }
0x8d: {  	v25 =	vsub.f32 v15, v25;
	v34 =	vmin.f32 v39, v42;
	v18 =	vld.idx.msk [tilespmem:v37+s6+$0x0], $0xffff;
	v37 =	vadd.f32 v10, v24  }
0x8e: {  	v15 =	vsub.f32 v32, v38;
	v23 =	vmax.f32 v23, $0.0e+00;
	v3 =	vadd.f32 v3, v27;
	v39 =	vld.idx.msk [tilespmem:v44+s7+$0x0], $0xffff  }
0x8f: {  	v26 =	vsub.f32 v26, v29;
	v11 =	vmax.f32 v11, $0.0e+00  }
0x90: {  	v15 =	vmax.f32 v15, $0.0e+00;
	v11 =	vmul.f32 v11, v23;
	v3 =	vadd.f32 v3, v35;
	v24 =	vld.idx.msk [tilespmem:v31+s7+$0x0], $0xffff  }
.Ltmp0:
0x91: {  	v25 =	vmax.f32 v25, v36;
	v29 =	vmax.f32 v26, $0.0e+00;
	v35 =	vmul.f32 $1.442695020e+00, v22;
	(pc) =	sbr.rel @p0 .LBB2_1-.Ltmp0, $4  }
0x92: {  	v26 =	vadd.f32 v30, v22;
	v32 =	vmul.f32 $1.442695020e+00, v30;
	v22 =	vmul.f32 $4.099999960e-01, v13;
	v23 =	vld.idx.msk [tilespmem:v31+s6+$0x0], $0xffff  }
0x93: {  	v27 =	vmax.f32 v33, $0.0e+00;
	v36 =	vsub.f32 v37, v11;
	v13 =	vsub.f32 v41, v25;
	v30 =	vld.idx.msk [tilespmem:v44+s6+$0x0], $0xffff  }
0x94: {  	v12 =	vadd.f32 v5, v12;
	v33 =	vadd.f32 v39, v26;
	v26 =	vmul.f32 $1.442695020e+00, v39;
	v28 =	vld.idx.msk [tilespmem:v28+s6+$0x0], $0xffff  }
0x95: {  	v25 =	vsub.f32 v34, v47;
	v34 =	vadd.f32 $9.999999970e-07, v36;
	v31 =	vld.idx.msk [tilespmem:v43+s6+$0x0], $0xffff;
	(erf) = vpow2.f32 v35  }
0x96: {  	_ =	sdelay $0x2  }
0x97: {  	v7 =	vadd.f32 v24, v33;
	v13 =	vmax.f32 v13, $0.0e+00;
	(erf) = vpow2.f32 v32  }
0x98: {  	v24 =	vmul.f32 $1.442695020e+00, v24;
	v20 =	vld.idx.msk [tilespmem:v20+s6+$0x0], $0xffff;
	v22 =	vadd.f32 v10, v22;
	v13 =	vmul.f32 v13, v29  }
0x99: {  	(erf) = vrcp.f32 v34;
	v29 =	vld.idx.msk [tilespmem:v14+s6+$0x0], $0xffff;
	v14 =	vmax.f32 v19, $0.0e+00;
	v7 =	vmul.f32 $2.500000000e-01, v7  }
0x9a: {  	v23 =	vadd.f32 $1.000000000e+00, v23;
	v19 =	vadd.f32 $0.0e+00, v30;
	v14 =	vmul.f32 v14, v27  }
0x9b: {  	v21 =	vld.idx.msk [tilespmem:v21+s6+$0x0], $0xffff;
	v17 =	vsub.f32 v17, v13;
	v27 =	vadd.f32 $0.0e+00, v28;
	v7 =	vmul.f32 $1.442695020e+00, v7  }
0x9c: {  	(erf) = vpow2.f32 v26;
	v26 =	vadd.f32 $1.000000000e+00, v31;
	v16 =	vsub.f32 v16, v14  }
0x9d: {  	v17 =	vadd.f32 $9.999999970e-07, v17;
	v20 =	vadd.f32 $0.0e+00, v20;
	(erf) = vpow2.f32 v7  }
0x9e: {  	v7 =	vadd.f32 $1.000000000e+00, v18;
	v18 =	vmax.f32 v25, $0.0e+00;
	v28 =	vadd.f32 $9.999999970e-07, v16  }
0x9f: {  	(erf) = vrcp.f32 v17;
	v17 =	vadd.f32 $0.0e+00, v29;
	v10 =	vmul.f32 v18, v15  }
0xa0: {  	v18 =	vadd.f32 $1.000000000e+00, v21;
	v31 =	vadd.f32 v20, v27;
	v25 =	vpop (erf);
	(erf) = vpow2.f32 v24  }
0xa1: {  	v16 =	vmul.f32 v25, v25;
	v21 =	vmul.f32 $5.000000000e-01, v25;
	v22 =	vsub.f32 v22, v10  }
0xa2: {  	v24 =	vpop (erf);
	v25 =	vmul.f32 $4.099999960e-01, v25;
	v29 =	vadd.f32 v7, v17;
	v31 =	vadd.f32 v18, v31  }
0xa3: {  	v30 =	vmul.f32 $4.099999960e-01, v24;
	v56 =	vmul.f32 $4.099999960e-01, v16;
	v57 =	vadd.f32 v21, v17  }
0xa4: {  	v15 =	vpop (erf);
	v17 =	vsub.f32 v17, v21;
	v21 =	vmul.f32 v24, v24;
	v25 =	vmul.f32 $5.000000000e-01, v25  }
0xa5: {  	v58 =	vpop (erf);
	v16 =	vadd.f32 v19, v29;
	v24 =	vmul.f32 $5.000000000e-01, v24;
	v22 =	vadd.f32 $9.999999970e-07, v22  }
0xa6: {  	v31 =	vadd.f32 v26, v31;
	v29 =	vmul.f32 $4.099999960e-01, v58;
	v30 =	vmul.f32 $5.000000000e-01, v30  }
0xa7: {  	v34 =	vmul.f32 v58, v58;
	v38 =	vadd.f32 v23, v16;
	v60 =	vsub.f32 v7, v24  }
0xa8: {  	v7 =	vadd.f32 v24, v7;
	v21 =	vmul.f32 $4.099999960e-01, v21;
	v24 =	vadd.f32 v30, v20  }
0xa9: {  	v20 =	vsub.f32 v20, v30;
	v30 =	vmul.f32 $2.500000000e-01, v31;
	v31 =	vmul.f32 $5.000000000e-01, v58  }
0xaa: {  	v36 =	vadd.f32 v25, v27;
	v29 =	vmul.f32 $5.000000000e-01, v29;
	v34 =	vmul.f32 $4.099999960e-01, v34;
	v35 =	vpop (erf)  }
0xab: {  	v25 =	vsub.f32 v27, v25;
	v59 =	vmul.f32 $2.500000000e-01, v38;
	v37 =	vmul.f32 $4.099999960e-01, v35;
	v16 =	vpop (erf)  }
0xac: {  	v39 =	vmul.f32 v35, v35;
	v35 =	vmul.f32 $5.000000000e-01, v35;
	v43 =	vadd.f32 v31, v19;
	v40 =	vpop (erf)  }
0xad: {  	v19 =	vsub.f32 v19, v31;
	v27 =	vmul.f32 $5.000000000e-01, v37;
	v41 =	vmul.f32 $5.000000000e-01, v40  }
0xae: {  	v42 =	vsub.f32 v59, v35;
	v35 =	vadd.f32 v35, v59;
	v39 =	vmul.f32 $4.099999960e-01, v39  }
0xaf: {  	v31 =	vmul.f32 $4.099999960e-01, v40;
	v61 =	vsub.f32 v23, v41;
	v23 =	vadd.f32 v41, v23  }
0xb0: {  	v40 =	vmul.f32 v40, v40;
	v62 =	vadd.f32 v27, v30;
	v27 =	vsub.f32 v30, v27  }
0xb1: {  	v30 =	vadd.f32 v29, v18;
	v17 =	vmax.f32 v17, v42;
	v38 =	vmax.f32 v60, v42  }
0xb2: {  	v33 =	vmin.f32 v57, v35;
	v31 =	vmul.f32 $5.000000000e-01, v31;
	v43 =	vmin.f32 v43, v35  }
0xb3: {  	v7 =	vmin.f32 v7, v35;
	v34 =	vadd.f32 v39, v34;
	v32 =	vadd.f32 v39, v56  }
0xb4: {  	v18 =	vsub.f32 v18, v29;
	v19 =	vmax.f32 v19, v42;
	v17 =	vsub.f32 v33, v17  }
0xb5: {  	v7 =	vsub.f32 v7, v38;
	v19 =	vsub.f32 v43, v19;
	v30 =	vmin.f32 v30, v62  }
0xb6: {  	v23 =	vmin.f32 v23, v35;
	v36 =	vmin.f32 v36, v62;
	v63 =	vsub.f32 v26, v31  }
0xb7: {  	v37 =	vmax.f32 v61, v42;
	v26 =	vadd.f32 v31, v26;
	v25 =	vmax.f32 v25, v27  }
0xb8: {  	v20 =	vmax.f32 v20, v27;
	v18 =	vmax.f32 v18, v27;
	v23 =	vsub.f32 v23, v37  }
0xb9: {  	v25 =	vsub.f32 v36, v25;
	v31 =	vmax.f32 v63, v27;
	v26 =	vmin.f32 v26, v62  }
0xba: {  	v24 =	vmin.f32 v24, v62;
	v18 =	vsub.f32 v30, v18;
	v26 =	vsub.f32 v26, v31  }
0xbb: {  	v7 =	vmax.f32 v7, $0.0e+00;
	v19 =	vmax.f32 v19, $0.0e+00;
	v31 =	vmul.f32 $4.099999960e-01, v40  }
0xbc: {  	v20 =	vsub.f32 v24, v20;
	v23 =	vmax.f32 v23, $0.0e+00;
	v26 =	vmax.f32 v26, $0.0e+00  }
0xbd: {  	v18 =	vmax.f32 v18, $0.0e+00;
	v29 =	vadd.f32 v39, v31;
	v23 =	vmul.f32 v26, v23  }
0xbe: {  	v17 =	vmax.f32 v17, $0.0e+00;
	v18 =	vmul.f32 v18, v19;
	v19 =	vmax.f32 v25, $0.0e+00  }
0xbf: {  	v17 =	vmul.f32 v19, v17;
	v19 =	vmax.f32 v20, $0.0e+00;
	v24 =	vsub.f32 v29, v23  }
0xc0: {  	v21 =	vadd.f32 v39, v21;
	v20 =	vsub.f32 v34, v18;
	v19 =	vmul.f32 v19, v7  }
0xc1: {  	(erf) = vrcp.f32 v28;
	v7 =	vadd.f32 $9.999999970e-07, v24;
	v24 =	vsub.f32 v32, v17  }
0xc2: {  	(erf) = vrcp.f32 v22;
	v20 =	vadd.f32 $9.999999970e-07, v20;
	v21 =	vsub.f32 v21, v19  }
0xc3: {  	(erf) = vrcp.f32 v7;
	v7 =	vadd.f32 $9.999999970e-07, v24  }
0xc4: {  	(erf) = vrcp.f32 v20;
	v20 =	vadd.f32 $9.999999970e-07, v21  }
0xc5: {  	(erf) = vrcp.f32 v7  }
0xc6: {  	(erf) = vrcp.f32 v20;
	_ =	sdelay $0x3  }
0xc7: {  	v20 =	vpop (erf)  }
0xc8: {  	v21 =	vpop (erf)  }
0xc9: {  	v22 =	vpop (erf)  }
0xca: {  	v24 =	vpop (erf)  }
0xcb: {  	v9 =	vld.idx.msk [tilespmem:v9+s5+$0x0], $0xffff;
	v25 =	vpop (erf)  }
0xcc: {  	v8 =	vld.idx.msk [tilespmem:v8+s5+$0x0], $0xffff;
	s31 =	simm.s32 $0x2;
	v26 =	vpop (erf)  }
0xcd: {  	s6 =	simm.s32 $0x0;
	v7 =	vld.idx.msk [tilespmem:v6+s5+$0x0], $0xffff;
	_ =	swait.ge [sflag:s31], $0x1000  }
0xce: {  	v27 =	vmov s6;
	v6 =	vlaneseq.u32;
	[sflag:s31] =	ssyncset.done $0x0  }
0xcf: {  	v27 =	vshrl.u32 v27, $0x7;
	v28 =	vor.u32 s6, v6;
	[sflag:s31] =	ssyncadd.s32 $0xFFFFF000  }
0xd0: {  	v30 =	vshll.u32 v27, $0x9;
	v29 =	vand.u32 $0x7F, v28;
	_ =	swait.ge [sflag:s31], $0x200  }
0xd1: {  	v30 =	vor.u32 v29, v30;
	[sflag:s31] =	ssyncset.done $0x0  }
0xd2: {  	v31 =	vor.u32 $0x180, v30;
	[sflag:s31] =	ssyncadd.s32 $0xFFFFFE00  }
0xd3: {  	v43 =	vor.u32 $0x980, v30;
	_ =	swait.ge [sflag:s31], $0x400  }
0xd4: {  	v44 =	vor.u32 $0x100, v30;
	[sflag:s31] =	ssyncset.done $0x0  }
0xd5: {  	s9 =	simm.s32 $0xC800;
	v45 =	vor.u32 $0x900, v30;
	[sflag:s31] =	ssyncadd.s32 $0xFFFFFC00  }
0xd6: {  	v46 =	vor.u32 $0x80, v30;
	v47 =	vld.idx.msk [tilespmem:v30+s9+$0x0], $0xffff  }
0xd7: {  	v48 =	vor.u32 $0x800, v30;
	v31 =	vld.idx.msk [tilespmem:v31+s9+$0x0], $0xffff  }
0xd8: {  	v30 =	vor.u32 $0x880, v30;
	v32 =	vld.idx.msk [tilespmem:v43+s9+$0x0], $0xffff  }
0xd9: {  	v33 =	vld.idx.msk [tilespmem:v44+s9+$0x0], $0xffff  }
0xda: {  	v34 =	vld.idx.msk [tilespmem:v45+s9+$0x0], $0xffff  }
0xdb: {  	v35 =	vld.idx.msk [tilespmem:v46+s9+$0x0], $0xffff  }
0xdc: {  	v14 =	vmul.f32 v20, v14;
	v37 =	vld.idx.msk [tilespmem:v48+s9+$0x0], $0xffff  }
0xdd: {  	s5 =	simm.s32 $0x4000;
	v20 =	vld.idx.msk [tilespmem:v30+s9+$0x0], $0xffff  }
0xde: {  	v10 =	vmul.f32 v21, v10;
	v14 =	vsub.f32 $1.000000000e+00, v14;
	v30 =	vld.idx.msk [tilespmem:v47+s5+$0x0], $0xffff  }
0xdf: {  	v21 =	vld.idx.msk [tilespmem:v47+s6+$0x0], $0xffff  }
0xe0: {  	v13 =	vmul.f32 v16, v13;
	v10 =	vsub.f32 $1.000000000e+00, v10;
	v0 =	vmul.f32 v14, v0;
	v49 =	vld.idx.msk [tilespmem:v31+s5+$0x0], $0xffff  }
0xe1: {  	v11 =	vmul.f32 v15, v11;
	v14 =	vld.idx.msk [tilespmem:v33+s5+$0x0], $0xffff  }
0xe2: {  	v2 =	vmul.f32 v10, v2;
	v10 =	vsub.f32 $1.000000000e+00, v13;
	v0 =	vadd.f32 v0, v3;
	v15 =	vld.idx.msk [tilespmem:v32+s5+$0x0], $0xffff  }
0xe3: {  	v3 =	vld.idx.msk [tilespmem:v35+s5+$0x0], $0xffff  }
0xe4: {  	v11 =	vsub.f32 $1.000000000e+00, v11;
	v1 =	vmul.f32 v10, v1;
	v0 =	vadd.f32 v0, v2;
	v16 =	vld.idx.msk [tilespmem:v34+s5+$0x0], $0xffff  }
0xe5: {  	v17 =	vmul.f32 v25, v17;
	v2 =	vld.idx.msk [tilespmem:v35+s6+$0x0], $0xffff  }
0xe6: {  	v4 =	vmul.f32 v11, v4;
	v10 =	vadd.f32 v9, v12;
	v0 =	vadd.f32 v0, v1;
	v12 =	vld.idx.msk [tilespmem:v37+s6+$0x0], $0xffff  }
0xe7: {  	v22 =	vmul.f32 v22, v23;
	v17 =	vsub.f32 $1.000000000e+00, v17;
	v23 =	vld.idx.msk [tilespmem:v33+s6+$0x0], $0xffff  }
0xe8: {  	v0 =	vadd.f32 v0, v4;
	v4 =	vmul.f32 v26, v19;
	v11 =	vadd.s32 $0x4000, v47;
	v13 =	vld.idx.msk [tilespmem:v20+s6+$0x0], $0xffff  }
0xe9: {  	v1 =	vadd.f32 v8, v10;
	v19 =	vsub.f32 $1.000000000e+00, v22;
	v22 =	vadd.s32 $0x4000, v35;
	v25 =	vld.idx.msk [tilespmem:v31+s6+$0x0], $0xffff  }
0xea: {  	v4 =	vsub.f32 $1.000000000e+00, v4;
	v10 =	vld.idx.msk [tilespmem:v34+s6+$0x0], $0xffff;
	v2 =	vadd.f32 v2, v21  }
0xeb: {  	v18 =	vmul.f32 v24, v18;
	v5 =	vmul.f32 v17, v5;
	v24 =	vadd.s32 $0x4000, v37;
	v26 =	vld.idx.msk [tilespmem:v32+s6+$0x0], $0xffff  }
0xec: {  	v4 =	vmul.f32 v4, v9;
	v9 =	vadd.s32 $0x4000, v33;
	v50 =	vld.idx.msk [tilespmem:v37+s5+$0x0], $0xffff;
	v2 =	vadd.f32 v23, v2  }
0xed: {  	s7 =	simm.s32 $0x10;
	v5 =	vadd.f32 v5, v0;
	v17 =	vld.idx.msk [tilespmem:v11+s5+$0x0], $0xffff;
	v21 =	vadd.s32 $0x4000, v20;
	v12 =	vadd.f32 v13, v12  }
0xee: {  	v31 =	vadd.s32 $0x4000, v31;
	v11 =	vor.u32 s7, v6;
	v22 =	vld.idx.msk [tilespmem:v22+s5+$0x0], $0xffff;
	v2 =	vadd.f32 v25, v2  }
0xef: {  	v20 =	vld.idx.msk [tilespmem:v20+s5+$0x0], $0xffff;
	v3 =	vadd.f32 v3, v30;
	v23 =	vadd.s32 $0x4000, v34;
	v10 =	vadd.f32 v10, v12  }
0xf0: {  	v24 =	vld.idx.msk [tilespmem:v24+s5+$0x0], $0xffff;
	v25 =	vadd.s32 $0x4000, v32;
	v13 =	vmov s7;
	v2 =	vmul.f32 $2.500000000e-01, v2  }
0xf1: {  	v9 =	vld.idx.msk [tilespmem:v9+s5+$0x0], $0xffff;
	v13 =	vshrl.u32 v13, $0x7;
	v12 =	vand.u32 $0x7F, v11;
	v10 =	vadd.f32 v26, v10  }
0xf2: {  	v21 =	vld.idx.msk [tilespmem:v21+s5+$0x0], $0xffff;
	v2 =	vmul.f32 $1.442695020e+00, v2;
	v26 =	vshll.u32 v27, $0x8;
	v27 =	vshll.u32 v13, $0x9  }
0xf3: {  	v31 =	vld.idx.msk [tilespmem:v31+s5+$0x0], $0xffff;
	v26 =	vor.u32 v29, v26;
	v27 =	vor.u32 v12, v27;
	v0 =	vmul.f32 $2.500000000e-01, v10  }
0xf4: {  	s7 =	simm.s32 $0xE000;
	v20 =	vadd.f32 v20, v50;
	v23 =	vld.idx.msk [tilespmem:v23+s5+$0x0], $0xffff;
	v10 =	vor.u32 $0x180, v27  }
0xf5: {  	v3 =	vadd.f32 v14, v3;
	v11 =	vld.idx.msk [tilespmem:v11+s7+$0x0], $0xffff;
	(erf) = vpow2.f32 v2;
	v53 =	vmul.f32 $1.442695020e+00, v0  }
0xf6: {  	v14 =	vadd.f32 v16, v20;
	v25 =	vld.idx.msk [tilespmem:v25+s5+$0x0], $0xffff;
	v2 =	vadd.f32 v22, v17;
	v29 =	vor.u32 $0x80, v26  }
0xf7: {  	s8 =	simm.s32 $0xE200;
	v17 =	vadd.f32 v21, v24;
	v52 =	vor.u32 $0x980, v27;
	v0 =	vld.idx.msk [tilespmem:v28+s7+$0x0], $0xffff;
	(erf) = vpow2.f32 v53  }
0xf8: {  	v18 =	vsub.f32 $1.000000000e+00, v18;
	v51 =	vor.u32 $0x100, v27;
	v2 =	vadd.f32 v9, v2;
	v21 =	vld.idx.msk [tilespmem:v26+s8+$0x0], $0xffff  }
0xf9: {  	v20 =	vor.u32 $0x800, v27;
	v9 =	vadd.f32 v23, v17;
	v23 =	vld.idx.msk [tilespmem:v10+s9+$0x0], $0xffff;
	v10 =	vadd.f32 v15, v14  }
0xfa: {  	v8 =	vmul.f32 v18, v8;
	v4 =	vadd.f32 v5, v4;
	v22 =	vor.u32 $0x900, v27;
	v24 =	vld.idx.msk [tilespmem:v27+s9+$0x0], $0xffff  }
0xfb: {  	v16 =	vor.u32 $0x80, v27;
	v9 =	vadd.f32 v25, v9;
	v17 =	vld.idx.msk [tilespmem:v29+s8+$0x0], $0xffff;
	v10 =	vmul.f32 $2.500000000e-01, v10  }
0xfc: {  	v3 =	vadd.f32 v49, v3;
	v2 =	vadd.f32 v31, v2;
	v14 =	vor.u32 $0x880, v27;
	v15 =	vld.idx.msk [tilespmem:v52+s9+$0x0], $0xffff  }
0xfd: {  	v25 =	vld.idx.msk [tilespmem:v51+s9+$0x0], $0xffff;
	v5 =	vmul.f32 $2.500000000e-01, v9;
	v9 =	vadd.f32 $5.000000000e-01, v10  }
0xfe: {  	v4 =	vadd.f32 v4, v8;
	v3 =	vmul.f32 $2.500000000e-01, v3;
	v2 =	vmul.f32 $2.500000000e-01, v2;
	v20 =	vld.idx.msk [tilespmem:v20+s9+$0x0], $0xffff;
	v26 =	vpop (erf)  }
0xff: {  	v22 =	vld.idx.msk [tilespmem:v22+s9+$0x0], $0xffff;
	v5 =	vadd.f32 $5.000000000e-01, v5;
	v10 =	vadd.f32 v9, v21;
	v21 =	vmul.f32 $4.099999960e-01, v26  }
0x100: {  	v3 =	vadd.f32 $5.000000000e-01, v3;
	v16 =	vld.idx.msk [tilespmem:v16+s9+$0x0], $0xffff;
	v2 =	vadd.f32 $5.000000000e-01, v2;
	v9 =	vmul.f32 $5.000000000e-01, v26;
	v27 =	vpop (erf)  }
0x101: {  	v14 =	vld.idx.msk [tilespmem:v14+s9+$0x0], $0xffff;
	v5 =	vadd.f32 v5, v17;
	v21 =	vmul.f32 $5.000000000e-01, v21;
	v29 =	vmul.f32 $4.099999960e-01, v27  }
0x102: {  	v28 =	vld.idx.msk [tilespmem:v24+s5+$0x0], $0xffff;
	v31 =	vsub.f32 v3, v9;
	v3 =	vadd.f32 v9, v3;
	v17 =	vmul.f32 $5.000000000e-01, v27  }
0x103: {  	v30 =	vld.idx.msk [tilespmem:v24+s6+$0x0], $0xffff;
	v56 =	vsub.f32 v2, v21;
	v2 =	vadd.f32 v21, v2;
	v29 =	vmul.f32 $5.000000000e-01, v29  }
0x104: {  	v9 =	vld.idx.msk [tilespmem:v23+s5+$0x0], $0xffff;
	v54 =	vsub.f32 v10, v17;
	v17 =	vadd.f32 v17, v10  }
0x105: {  	v55 =	vld.idx.msk [tilespmem:v25+s5+$0x0], $0xffff;
	v18 =	vsub.f32 v5, v29;
	v5 =	vadd.f32 v29, v5  }
0x106: {  	v8 =	vld.idx.msk [tilespmem:v20+s6+$0x0], $0xffff;
	v21 =	vmul.f32 v26, v26;
	v26 =	vmul.f32 v27, v27;
	v3 =	vmin.f32 v3, v17  }
0x107: {  	v58 =	vld.idx.msk [tilespmem:v15+s6+$0x0], $0xffff;
	v17 =	vmax.f32 v31, v54;
	v2 =	vmin.f32 v2, v5;
	v5 =	vmax.f32 v56, v18  }
0x108: {  	v60 =	vld.idx.msk [tilespmem:v20+s5+$0x0], $0xffff;
	v3 =	vsub.f32 v3, v17;
	v17 =	vmul.f32 $4.099999960e-01, v26;
	v2 =	vsub.f32 v2, v5  }
0x109: {  	v29 =	vld.idx.msk [tilespmem:v16+s5+$0x0], $0xffff;
	v18 =	vmul.f32 v19, v7;
	v5 =	vmul.f32 $4.099999960e-01, v21  }
0x10a: {  	v19 =	vld.idx.msk [tilespmem:v16+s6+$0x0], $0xffff;
	v21 =	vadd.s32 $0x4000, v24;
	v3 =	vmax.f32 v3, $0.0e+00;
	v2 =	vmax.f32 v2, $0.0e+00  }
0x10b: {  	v13 =	vshll.u32 v13, $0x8;
	v24 =	vld.idx.msk [tilespmem:v14+s6+$0x0], $0xffff;
	v5 =	vadd.f32 v17, v5;
	v31 =	vmul.f32 v2, v3  }
0x10c: {  	v12 =	vor.u32 v12, v13;
	v26 =	vld.idx.msk [tilespmem:v25+s6+$0x0], $0xffff  }
0x10d: {  	v1 =	vadd.f32 v7, v1;
	v63 =	vor.u32 $0x80, v12;
	v17 =	vld.idx.msk [tilespmem:v22+s6+$0x0], $0xffff;
	v7 =	vsub.f32 v5, v31  }
0x10e: {  	v57 =	vadd.s32 $0x4000, v20;
	v16 =	vadd.s32 $0x4000, v16;
	v2 =	vadd.f32 v4, v18;
	v18 =	vld.idx.msk [tilespmem:v23+s6+$0x0], $0xffff  }
0x10f: {  	v19 =	vadd.f32 v19, v30;
	v59 =	vld.idx.msk [tilespmem:v21+s5+$0x0], $0xffff;
	v21 =	vadd.s32 $0x4000, v14;
	v7 =	vadd.f32 $9.999999970e-07, v7  }
0x110: {  	v10 =	vld.idx.msk [tilespmem:v15+s5+$0x0], $0xffff;
	v15 =	vadd.s32 $0x4000, v15;
	v25 =	vadd.s32 $0x4000, v25;
	v8 =	vadd.f32 v24, v8  }
0x111: {  	v27 =	vld.idx.msk [tilespmem:v22+s5+$0x0], $0xffff;
	v22 =	vadd.s32 $0x4000, v22;
	v19 =	vadd.f32 v26, v19;
	(erf) = vrcp.f32 v7  }
0x112: {  	s10 =	simm.s32 $0x20;
	v28 =	vadd.f32 v29, v28;
	v3 =	vimm.f32 $0.0e+00;
	v24 =	vld.idx.msk [tilespmem:v14+s5+$0x0], $0xffff;
	v14 =	vadd.f32 v17, v8  }
0x113: {  	v30 =	vmov s10;
	v26 =	vld.idx.msk [tilespmem:v16+s5+$0x0], $0xffff;
	v16 =	vadd.s32 $0x4000, v23;
	v17 =	vadd.f32 v18, v19  }
0x114: {  	v5 =	vor.u32 s10, v6;
	v8 =	vshrl.u32 v30, $0x7;
	v30 =	vld.idx.msk [tilespmem:v21+s5+$0x0], $0xffff;
	v21 =	vadd.f32 v58, v14  }
0x115: {  	v19 =	vld.idx.msk [tilespmem:v57+s5+$0x0], $0xffff;
	v18 =	vshll.u32 v8, $0x9;
	v7 =	vand.u32 $0x7F, v5;
	v23 =	vmul.f32 $2.500000000e-01, v17  }
0x116: {  	v61 =	vld.idx.msk [tilespmem:v25+s5+$0x0], $0xffff;
	v4 =	vadd.f32 v0, v3;
	v14 =	vor.u32 v7, v18;
	v13 =	vmul.f32 $2.500000000e-01, v21  }
0x117: {  	v62 =	vld.idx.msk [tilespmem:v22+s5+$0x0], $0xffff;
	v24 =	vadd.f32 v24, v60;
	v20 =	vor.u32 $0x180, v14;
	v25 =	vmul.f32 $1.442695020e+00, v23  }
0x118: {  	v17 =	vor.u32 $0x100, v14;
	v22 =	vor.u32 $0x980, v14;
	v18 =	vld.idx.msk [tilespmem:v16+s5+$0x0], $0xffff;
	v13 =	vmul.f32 $1.442695020e+00, v13  }
0x119: {  	v16 =	vor.u32 $0x80, v14;
	v29 =	vadd.f32 v26, v59;
	v23 =	vld.idx.msk [tilespmem:v15+s5+$0x0], $0xffff;
	(erf) = vpow2.f32 v25  }
0x11a: {  	v21 =	vor.u32 $0x900, v14;
	v15 =	vld.idx.msk [tilespmem:v12+s8+$0x0], $0xffff;
	v19 =	vadd.f32 v30, v19;
	(erf) = vpow2.f32 v13;
	v12 =	vpop (erf)  }
0x11b: {  	v26 =	vadd.f32 v27, v24;
	v25 =	vadd.f32 v55, v28;
	v13 =	vld.idx.msk [tilespmem:v14+s9+$0x0], $0xffff;
	v12 =	vmul.f32 v12, v31  }
0x11c: {  	s10 =	simm.s32 $0x30;
	v24 =	vor.u32 $0x800, v14;
	v27 =	vadd.f32 v61, v29;
	v28 =	vadd.f32 v62, v19;
	v19 =	vld.idx.msk [tilespmem:v63+s8+$0x0], $0xffff  }
.LBB2_3:
0x11d: {  	p0 =	sne.s32 s10, $0x1F0;
	v20 =	vld.idx.msk [tilespmem:v20+s9+$0x0], $0xffff;
	v9 =	vadd.f32 v9, v25;
	v10 =	vadd.f32 v10, v26;
	v25 =	vmul.f32 v12, v0  }
0x11e: {  	v12 =	vor.u32 $0x880, v14;
	v14 =	vld.idx.msk [tilespmem:v22+s9+$0x0], $0xffff;
	v18 =	vadd.f32 v18, v27;
	v22 =	vadd.f32 v23, v28  }
0x11f: {  	v0 =	vmovc v11;
	v17 =	vld.idx.msk [tilespmem:v17+s9+$0x0], $0xffff;
	v9 =	vmul.f32 $2.500000000e-01, v9;
	v10 =	vmul.f32 $2.500000000e-01, v10;
	v3 =	vadd.f32 v25, v3  }
0x120: {  	v4 =	vadd.f32 v0, v4;
	v11 =	vld.idx.msk [tilespmem:v21+s9+$0x0], $0xffff;
	v18 =	vmul.f32 $2.500000000e-01, v18;
	v21 =	vmul.f32 $2.500000000e-01, v22  }
0x121: {  	v16 =	vld.idx.msk [tilespmem:v16+s9+$0x0], $0xffff;
	v9 =	vadd.f32 $5.000000000e-01, v9;
	v10 =	vadd.f32 $5.000000000e-01, v10  }
0x122: {  	v22 =	vld.idx.msk [tilespmem:v24+s9+$0x0], $0xffff;
	v18 =	vadd.f32 $5.000000000e-01, v18;
	v21 =	vadd.f32 $5.000000000e-01, v21;
	v23 =	vpop (erf)  }
0x123: {  	v12 =	vld.idx.msk [tilespmem:v12+s9+$0x0], $0xffff;
	v10 =	vadd.f32 v10, v15;
	v15 =	vmul.f32 $5.000000000e-01, v23;
	v24 =	vmul.f32 $4.099999960e-01, v23;
	v25 =	vpop (erf)  }
0x124: {  	v26 =	vld.idx.msk [tilespmem:v13+s5+$0x0], $0xffff;
	v19 =	vadd.f32 v21, v19;
	v21 =	vmul.f32 $5.000000000e-01, v25;
	v27 =	vmul.f32 $4.099999960e-01, v25  }
0x125: {  	v28 =	vld.idx.msk [tilespmem:v13+s6+$0x0], $0xffff;
	v29 =	vsub.f32 v9, v15;
	v15 =	vadd.f32 v15, v9;
	v24 =	vmul.f32 $5.000000000e-01, v24  }
0x126: {  	v9 =	vld.idx.msk [tilespmem:v20+s5+$0x0], $0xffff;
	v30 =	vsub.f32 v10, v21;
	v21 =	vadd.f32 v21, v10;
	v27 =	vmul.f32 $5.000000000e-01, v27  }
0x127: {  	v31 =	vld.idx.msk [tilespmem:v17+s5+$0x0], $0xffff;
	v32 =	vsub.f32 v18, v24;
	v18 =	vadd.f32 v24, v18  }
0x128: {  	v10 =	vld.idx.msk [tilespmem:v14+s5+$0x0], $0xffff;
	v24 =	vsub.f32 v19, v27;
	v19 =	vadd.f32 v27, v19  }
0x129: {  	v23 =	vmul.f32 v23, v23;
	v25 =	vmul.f32 v25, v25;
	v15 =	vmin.f32 v15, v21;
	v27 =	vld.idx.msk [tilespmem:v16+s5+$0x0], $0xffff  }
0x12a: {  	v21 =	vmax.f32 v29, v30;
	v33 =	vld.idx.msk [tilespmem:v11+s5+$0x0], $0xffff;
	v18 =	vmin.f32 v18, v19;
	v19 =	vmax.f32 v32, v24  }
0x12b: {  	v15 =	vsub.f32 v15, v21;
	v24 =	vld.idx.msk [tilespmem:v16+s6+$0x0], $0xffff;
	v18 =	vsub.f32 v18, v19  }
0x12c: {  	v21 =	vmul.f32 $4.099999960e-01, v23;
	v23 =	vmul.f32 $4.099999960e-01, v25;
	v19 =	vld.idx.msk [tilespmem:v22+s6+$0x0], $0xffff  }
0x12d: {  	v13 =	vadd.s32 $0x4000, v13;
	v15 =	vmax.f32 v15, $0.0e+00;
	v25 =	vld.idx.msk [tilespmem:v12+s6+$0x0], $0xffff;
	v18 =	vmax.f32 v18, $0.0e+00  }
0x12e: {  	v29 =	vld.idx.msk [tilespmem:v17+s6+$0x0], $0xffff;
	v30 =	vmul.f32 v18, v15;
	v15 =	vadd.f32 v23, v21  }
0x12f: {  	v18 =	vld.idx.msk [tilespmem:v11+s6+$0x0], $0xffff  }
0x130: {  	v16 =	vadd.s32 $0x4000, v16;
	v21 =	vld.idx.msk [tilespmem:v20+s6+$0x0], $0xffff;
	v15 =	vsub.f32 v15, v30  }
0x131: {  	v32 =	vor.u32 s10, v6;
	v23 =	vadd.s32 $0x4000, v22;
	v34 =	vld.idx.msk [tilespmem:v14+s6+$0x0], $0xffff  }
0x132: {  	v24 =	vadd.f32 v24, v28;
	v28 =	vadd.s32 $0x4000, v12;
	v13 =	vld.idx.msk [tilespmem:v13+s5+$0x0], $0xffff;
	v15 =	vadd.f32 $9.999999970e-07, v15  }
0x133: {  	v35 =	vmov s10;
	v17 =	vadd.s32 $0x4000, v17;
	v19 =	vadd.f32 v25, v19;
	v36 =	vld.idx.msk [tilespmem:v22+s5+$0x0], $0xffff  }
0x134: {  	v11 =	vadd.s32 $0x4000, v11;
	v22 =	vadd.f32 v29, v24;
	v12 =	vld.idx.msk [tilespmem:v12+s5+$0x0], $0xffff;
	(erf) = vrcp.f32 v15  }
0x135: {  	v15 =	vand.u32 $0x7F, v32;
	v18 =	vadd.f32 v18, v19;
	v24 =	vld.idx.msk [tilespmem:v16+s5+$0x0], $0xffff;
	v16 =	vadd.s32 $0x4000, v20  }
0x136: {  	v19 =	vshrl.u32 v35, $0x7;
	v20 =	vadd.f32 v21, v22;
	v25 =	vld.idx.msk [tilespmem:v23+s5+$0x0], $0xffff;
	v23 =	vadd.s32 $0x4000, v14  }
0x137: {  	v21 =	vshll.u32 v8, $0x8;
	v8 =	vmovc v19;
	v14 =	vshll.u32 v19, $0x9;
	v18 =	vadd.f32 v34, v18;
	v28 =	vld.idx.msk [tilespmem:v28+s5+$0x0], $0xffff  }
0x138: {  	v34 =	vor.u32 v7, v21;
	v7 =	vmovc v15;
	v14 =	vor.u32 v15, v14;
	v29 =	vmul.f32 $2.500000000e-01, v20;
	v19 =	vld.idx.msk [tilespmem:v17+s5+$0x0], $0xffff  }
0x139: {  	v37 =	vor.u32 $0x80, v34;
	v20 =	vor.u32 $0x180, v14;
	v35 =	vld.idx.msk [tilespmem:v11+s5+$0x0], $0xffff;
	v11 =	vmul.f32 $2.500000000e-01, v18  }
0x13a: {  	v17 =	vor.u32 $0x100, v14;
	v22 =	vor.u32 $0x980, v14;
	v15 =	vmul.f32 $1.442695020e+00, v29;
	v18 =	vld.idx.msk [tilespmem:v16+s5+$0x0], $0xffff  }
.Ltmp1:
0x13b: {  	v21 =	vor.u32 $0x900, v14;
	v16 =	vor.u32 $0x80, v14;
	v23 =	vld.idx.msk [tilespmem:v23+s5+$0x0], $0xffff;
	v29 =	vmul.f32 $1.442695020e+00, v11;
	(pc) =	sbr.rel @p0 .LBB2_3-.Ltmp1, $4  }
0x13c: {  	v26 =	vadd.f32 v27, v26;
	v12 =	vadd.f32 v12, v36;
	v11 =	vld.idx.msk [tilespmem:v5+s7+$0x0], $0xffff;
	(erf) = vpow2.f32 v15;
	v5 =	vmovc v32  }
0x13d: {  	v27 =	vadd.f32 v24, v13;
	v28 =	vadd.f32 v28, v25;
	v15 =	vld.idx.msk [tilespmem:v34+s8+$0x0], $0xffff;
	(erf) = vpow2.f32 v29;
	v24 =	vpop (erf)  }
0x13e: {  	v25 =	vadd.f32 v31, v26;
	v26 =	vadd.f32 v33, v12;
	v13 =	vld.idx.msk [tilespmem:v14+s9+$0x0], $0xffff;
	v12 =	vmul.f32 v24, v30  }
0x13f: {  	s10 =	sadd.s32 $0x10, s10;
	v27 =	vadd.f32 v19, v27;
	v24 =	vor.u32 $0x800, v14;
	v28 =	vadd.f32 v35, v28;
	v19 =	vld.idx.msk [tilespmem:v37+s8+$0x0], $0xffff  }
0x140: {  	_ =	sdelay $0x3  }
0x141: {  	v6 =	vld.idx.msk [tilespmem:v20+s9+$0x0], $0xffff  }
0x142: {  	v20 =	vld.idx.msk [tilespmem:v22+s9+$0x0], $0xffff  }
0x143: {  	v17 =	vld.idx.msk [tilespmem:v17+s9+$0x0], $0xffff  }
0x144: {  	v14 =	vor.u32 $0x880, v14;
	v21 =	vld.idx.msk [tilespmem:v21+s9+$0x0], $0xffff  }
0x145: {  	v16 =	vld.idx.msk [tilespmem:v16+s9+$0x0], $0xffff  }
0x146: {  	v9 =	vadd.f32 v9, v25;
	v10 =	vadd.f32 v10, v26;
	v61 =	vld.idx.msk [tilespmem:v24+s9+$0x0], $0xffff  }
0x147: {  	v18 =	vadd.f32 v18, v27;
	v60 =	vadd.f32 v23, v28;
	v24 =	vld.idx.msk [tilespmem:v13+s5+$0x0], $0xffff  }
0x148: {  	v9 =	vmul.f32 $2.500000000e-01, v9;
	v10 =	vmul.f32 $2.500000000e-01, v10;
	v62 =	vld.idx.msk [tilespmem:v13+s6+$0x0], $0xffff  }
0x149: {  	v18 =	vmul.f32 $2.500000000e-01, v18;
	v22 =	vmul.f32 $2.500000000e-01, v60;
	v14 =	vld.idx.msk [tilespmem:v14+s9+$0x0], $0xffff  }
0x14a: {  	v50 =	vadd.s32 $0x4000, v13;
	v9 =	vadd.f32 $5.000000000e-01, v9;
	v10 =	vadd.f32 $5.000000000e-01, v10;
	v27 =	vld.idx.msk [tilespmem:v6+s5+$0x0], $0xffff  }
0x14b: {  	v18 =	vadd.f32 $5.000000000e-01, v18;
	v22 =	vadd.f32 $5.000000000e-01, v22;
	v63 =	vpop (erf);
	v57 =	vadd.s32 $0x4000, v61;
	v30 =	vld.idx.msk [tilespmem:v17+s5+$0x0], $0xffff  }
0x14c: {  	v10 =	vadd.f32 v10, v15;
	v39 =	vmul.f32 $5.000000000e-01, v63;
	v40 =	vmul.f32 $4.099999960e-01, v63;
	v29 =	vpop (erf);
	v32 =	vld.idx.msk [tilespmem:v20+s5+$0x0], $0xffff  }
0x14d: {  	v19 =	vadd.f32 v22, v19;
	v41 =	vmul.f32 $5.000000000e-01, v29;
	v31 =	vmul.f32 $4.099999960e-01, v29;
	v43 =	vld.idx.msk [tilespmem:v16+s5+$0x0], $0xffff  }
0x14e: {  	v33 =	vsub.f32 v9, v39;
	v9 =	vadd.f32 v39, v9;
	v42 =	vmul.f32 $5.000000000e-01, v40;
	v46 =	vld.idx.msk [tilespmem:v16+s6+$0x0], $0xffff  }
0x14f: {  	v47 =	vld.idx.msk [tilespmem:v61+s6+$0x0], $0xffff;
	v34 =	vsub.f32 v10, v41;
	v10 =	vadd.f32 v41, v10;
	v44 =	vmul.f32 $5.000000000e-01, v31  }
0x150: {  	v48 =	vmul.f32 v63, v63;
	v53 =	vld.idx.msk [tilespmem:v17+s6+$0x0], $0xffff;
	v35 =	vsub.f32 v18, v42;
	v15 =	vadd.f32 v42, v18  }
0x151: {  	v29 =	vmul.f32 v29, v29;
	v36 =	vsub.f32 v19, v44;
	v19 =	vadd.f32 v44, v19;
	v51 =	vld.idx.msk [tilespmem:v14+s6+$0x0], $0xffff  }
0x152: {  	v54 =	vld.idx.msk [tilespmem:v21+s6+$0x0], $0xffff;
	v22 =	vmul.f32 $4.099999960e-01, v48;
	v9 =	vmin.f32 v9, v10;
	v49 =	vmax.f32 v33, v34  }
0x153: {  	v56 =	vld.idx.msk [tilespmem:v6+s6+$0x0], $0xffff;
	v9 =	vsub.f32 v9, v49;
	v15 =	vmin.f32 v15, v19;
	v52 =	vmax.f32 v35, v36  }
0x154: {  	v45 =	vld.idx.msk [tilespmem:v21+s5+$0x0], $0xffff;
	v16 =	vadd.s32 $0x4000, v16;
	v18 =	vadd.f32 v46, v62;
	v15 =	vsub.f32 v15, v52  }
0x155: {  	v58 =	vld.idx.msk [tilespmem:v20+s6+$0x0], $0xffff;
	v55 =	vmul.f32 $4.099999960e-01, v29;
	v59 =	vadd.s32 $0x4000, v14;
	v9 =	vmax.f32 v9, $0.0e+00  }
0x156: {  	v13 =	vld.idx.msk [tilespmem:v50+s5+$0x0], $0xffff;
	v60 =	vadd.f32 v53, v18;
	v15 =	vmax.f32 v15, $0.0e+00;
	v10 =	vadd.f32 v51, v47  }
0x157: {  	v17 =	vadd.s32 $0x4000, v17;
	v61 =	vld.idx.msk [tilespmem:v61+s5+$0x0], $0xffff;
	v22 =	vadd.f32 v55, v22;
	v9 =	vmul.f32 v15, v9  }
0x158: {  	v21 =	vadd.s32 $0x4000, v21;
	v63 =	vld.idx.msk [tilespmem:v57+s5+$0x0], $0xffff;
	v15 =	vadd.f32 v56, v60;
	v10 =	vadd.f32 v54, v10  }
0x159: {  	v6 =	vadd.s32 $0x4000, v6;
	v14 =	vld.idx.msk [tilespmem:v14+s5+$0x0], $0xffff;
	v62 =	vsub.f32 v22, v9  }
0x15a: {  	v20 =	vadd.s32 $0x4000, v20;
	v16 =	vld.idx.msk [tilespmem:v16+s5+$0x0], $0xffff;
	v15 =	vmul.f32 $2.500000000e-01, v15;
	v10 =	vadd.f32 v58, v10  }
0x15b: {  	v26 =	vld.idx.msk [tilespmem:v59+s5+$0x0], $0xffff;
	v19 =	vadd.f32 $9.999999970e-07, v62  }
0x15c: {  	v17 =	vld.idx.msk [tilespmem:v17+s5+$0x0], $0xffff;
	v15 =	vmul.f32 $1.442695020e+00, v15;
	v10 =	vmul.f32 $2.500000000e-01, v10  }
0x15d: {  	v8 =	vshll.u32 v8, $0x8;
	v29 =	vld.idx.msk [tilespmem:v21+s5+$0x0], $0xffff;
	(erf) = vrcp.f32 v19  }
0x15e: {  	v7 =	vor.u32 v7, v8;
	v6 =	vld.idx.msk [tilespmem:v6+s5+$0x0], $0xffff;
	(erf) = vpow2.f32 v15;
	v10 =	vmul.f32 $1.442695020e+00, v10  }
0x15f: {  	v33 =	vor.u32 $0x80, v7;
	v20 =	vld.idx.msk [tilespmem:v20+s5+$0x0], $0xffff;
	v14 =	vadd.f32 v14, v61  }
0x160: {  	v13 =	vadd.f32 v16, v13;
	v35 =	vadd.f32 v26, v63;
	(erf) = vpow2.f32 v10  }
0x161: {  	v34 =	vadd.f32 v43, v24;
	v14 =	vadd.f32 v45, v14  }
0x162: {  	v13 =	vadd.f32 v17, v13;
	v8 =	vadd.f32 v29, v35  }
0x163: {  	v36 =	vadd.f32 v30, v34;
	v14 =	vadd.f32 v32, v14  }
0x164: {  	v7 =	vld.idx.msk [tilespmem:v7+s8+$0x0], $0xffff;
	v6 =	vadd.f32 v6, v13;
	v8 =	vadd.f32 v20, v8  }
0x165: {  	v37 =	vld.idx.msk [tilespmem:v33+s8+$0x0], $0xffff;
	v14 =	vmul.f32 $2.500000000e-01, v14;
	v10 =	vadd.f32 v27, v36  }
0x166: {  	v6 =	vmul.f32 $2.500000000e-01, v6;
	v8 =	vmul.f32 $2.500000000e-01, v8;
	v38 =	vpop (erf)  }
0x167: {  	v14 =	vadd.f32 $5.000000000e-01, v14;
	v10 =	vmul.f32 $2.500000000e-01, v10;
	v39 =	vpop (erf)  }
0x168: {  	v6 =	vadd.f32 $5.000000000e-01, v6;
	v8 =	vadd.f32 $5.000000000e-01, v8;
	v41 =	vmul.f32 $4.099999960e-01, v39  }
0x169: {  	v7 =	vadd.f32 v14, v7;
	v10 =	vadd.f32 $5.000000000e-01, v10;
	v40 =	vmul.f32 $5.000000000e-01, v39;
	v42 =	vpop (erf)  }
0x16a: {  	v8 =	vadd.f32 v8, v37;
	v46 =	vmul.f32 $5.000000000e-01, v41;
	v44 =	vmul.f32 $4.099999960e-01, v42  }
0x16b: {  	v45 =	vsub.f32 v10, v40;
	v10 =	vadd.f32 v40, v10;
	v43 =	vmul.f32 $5.000000000e-01, v42  }
0x16c: {  	v49 =	vsub.f32 v6, v46;
	v6 =	vadd.f32 v46, v6;
	v48 =	vmul.f32 $5.000000000e-01, v44  }
0x16d: {  	v47 =	vsub.f32 v7, v43;
	v7 =	vadd.f32 v43, v7  }
0x16e: {  	v50 =	vsub.f32 v8, v48;
	v8 =	vadd.f32 v48, v8  }
0x16f: {  	v51 =	vmul.f32 v39, v39;
	v52 =	vmul.f32 v42, v42;
	v7 =	vmin.f32 v10, v7  }
0x170: {  	v53 =	vmax.f32 v45, v47;
	v6 =	vmin.f32 v6, v8;
	v54 =	vmax.f32 v49, v50  }
0x171: {  	v7 =	vsub.f32 v7, v53;
	v6 =	vsub.f32 v6, v54  }
0x172: {  	v55 =	vmul.f32 $4.099999960e-01, v51;
	v56 =	vmul.f32 $4.099999960e-01, v52  }
0x173: {  	v7 =	vmax.f32 v7, $0.0e+00;
	v6 =	vmax.f32 v6, $0.0e+00  }
0x174: {  	v57 =	vadd.f32 v56, v55;
	v6 =	vmul.f32 v6, v7;
	_ =	sdelay $0x1  }
0x175: {  	v7 =	vsub.f32 v57, v6;
	_ =	sdelay $0x1  }
0x176: {  	v7 =	vadd.f32 $9.999999970e-07, v7;
	_ =	sdelay $0x1  }
0x177: {  	(erf) = vrcp.f32 v7;
	_ =	sdelay $0x6  }
0x178: {  	v5 =	vld.idx.msk [tilespmem:v5+s7+$0x0], $0xffff;
	v0 =	vmul.f32 v12, v0  }
0x179: {  	v58 =	vmul.f32 v38, v9  }
0x17a: {  	v0 =	vadd.f32 v0, v3;
	[tilespmem:$0xE600] =	vst v2;
	v59 =	vpop (erf)  }
0x17b: {  	[tilespmem:$0xE610] =	vst v1;
	v63 =	vimm.f32 $0.0e+00;
	v60 =	vmul.f32 v58, v11;
	v6 =	vmul.f32 v59, v6  }
0x17c: {  	v4 =	vadd.f32 v11, v4;
	[tilespmem:$0xE640] =	vst v63  }
0x17d: {  	[tilespmem:$0xE650] =	vst v63;
	v0 =	vadd.f32 v60, v0;
	v61 =	vmul.f32 v6, v5  }
0x17e: {  	v62 =	vadd.f32 v5, v4;
	[tilespmem:$0xE660] =	vst v63  }
0x17f: {  	[tilespmem:$0xE670] =	vst v63;
	v0 =	vadd.f32 v61, v0  }
0x180: {  	s4 =	sshrl.u32 s4, $0x2;
	[tilespmem:$0xE630] =	vst v62  }
0x181: {  	s4 =	sadd.s32 s4, s2;
	s5 =	simm.s32 $0xE600;
	[tilespmem:$0xE620] =	vst v0  }
0x182: {  	[spmem:s4] =	stream.linear.scatter [tilespmem:s5], [sflag:$0x3], $0x80, $0x38;
	[tilespmem:$0xEF00] =	vst v63  }
0x183: {  	s4 =	simm.s32 $0x3  }
0x184: {  	_ =	swait.ge [sflag:s4], $0x80  }
0x185: {  	[sflag:s4] =	ssyncset.done $0x0  }
0x186: {  	[sflag:s4] =	ssyncadd.s32 $0xFFFFFF80  }
0x187: {  	p0 =	sne.s32 s3, $0x0;
	[bflag:$0x0] =	sbarrier.arrive $0xFFFF  }
0x188: {  	_ =	sfence.sel @p0 $0x180000  }
0x189: {  	[bflag:$0x0] =	sbarrier.arrive @p0 $0xFFFF  }
0x18a: {  	_ =	strace @p0 $0x90000047  }
0x18b: {  	[bflag:$0x2] =	sbarrier.arrive @p0 $0xFFFF  }
0x18c: {  	_ =	shalt @p0  }
.LBB2_5:
0x18d: {  	s3 =	simm.s32 $0xE680  }
0x18e: {  	[tilespmem:s3], [sflag:$0x3] =	stream.linear.gather [spmem:s2], $0x800, $0x38;
	[tilespmem:$0xEF00] =	vst v63  }
0x18f: {  	_ =	swait.ge [sflag:s4], $0x800  }
0x190: {  	[sflag:s4] =	ssyncset.done $0x0  }
0x191: {  	[sflag:s4] =	ssyncadd.s32 $0xFFFFF800  }
0x192: {  	v0 =	vld [tilespmem:$0xE680]  }
0x193: {  	v1 =	vld [tilespmem:$0xE690]  }
0x194: {  	v2 =	vld [tilespmem:$0xE6A0]  }
0x195: {  	v3 =	vld [tilespmem:$0xE6B0]  }
0x196: {  	v4 =	vld [tilespmem:$0xE700]  }
0x197: {  	v5 =	vld [tilespmem:$0xE710]  }
0x198: {  	v6 =	vld [tilespmem:$0xE720]  }
0x199: {  	v7 =	vld [tilespmem:$0xE730]  }
0x19a: {  	v8 =	vld [tilespmem:$0xE780]  }
0x19b: {  	v9 =	vld [tilespmem:$0xE790]  }
0x19c: {  	v10 =	vld [tilespmem:$0xE7A0]  }
0x19d: {  	v11 =	vld [tilespmem:$0xE7B0]  }
0x19e: {  	v12 =	vld [tilespmem:$0xE800]  }
0x19f: {  	v13 =	vld [tilespmem:$0xE810]  }
0x1a0: {  	v14 =	vld [tilespmem:$0xE820]  }
0x1a1: {  	v15 =	vld [tilespmem:$0xE830]  }
0x1a2: {  	v16 =	vld [tilespmem:$0xE880]  }
0x1a3: {  	v17 =	vld [tilespmem:$0xE890]  }
0x1a4: {  	v18 =	vld [tilespmem:$0xE8A0]  }
0x1a5: {  	v19 =	vld [tilespmem:$0xE8B0]  }
0x1a6: {  	v20 =	vld [tilespmem:$0xE900]  }
0x1a7: {  	v21 =	vld [tilespmem:$0xE910]  }
0x1a8: {  	v22 =	vld [tilespmem:$0xE920]  }
0x1a9: {  	v23 =	vld [tilespmem:$0xE930]  }
0x1aa: {  	v24 =	vld [tilespmem:$0xE980]  }
0x1ab: {  	v25 =	vld [tilespmem:$0xE990]  }
0x1ac: {  	v26 =	vld [tilespmem:$0xE9A0]  }
0x1ad: {  	v27 =	vld [tilespmem:$0xE9B0]  }
0x1ae: {  	v28 =	vld [tilespmem:$0xEA00]  }
0x1af: {  	v29 =	vld [tilespmem:$0xEA10]  }
0x1b0: {  	v30 =	vld [tilespmem:$0xEA20]  }
0x1b1: {  	v31 =	vld [tilespmem:$0xEA30]  }
0x1b2: {  	v32 =	vld [tilespmem:$0xEA80]  }
0x1b3: {  	v33 =	vld [tilespmem:$0xEA90]  }
0x1b4: {  	v34 =	vld [tilespmem:$0xEAA0]  }
0x1b5: {  	v35 =	vld [tilespmem:$0xEAB0];
	v0 =	vadd.f32 $0.0e+00, v0  }
0x1b6: {  	v36 =	vld [tilespmem:$0xEB00];
	v1 =	vadd.f32 $0.0e+00, v1  }
0x1b7: {  	v59 =	vld [tilespmem:$0xEB10];
	v2 =	vadd.f32 $0.0e+00, v2;
	v0 =	vadd.f32 v4, v0  }
0x1b8: {  	v60 =	vld [tilespmem:$0xEB20];
	v3 =	vadd.f32 $0.0e+00, v3;
	v1 =	vadd.f32 v5, v1  }
0x1b9: {  	v61 =	vld [tilespmem:$0xEB30];
	v2 =	vadd.f32 v6, v2;
	v0 =	vadd.f32 v8, v0  }
0x1ba: {  	v62 =	vld [tilespmem:$0xEB80];
	v3 =	vadd.f32 v7, v3;
	v1 =	vadd.f32 v9, v1  }
0x1bb: {  	v63 =	vld [tilespmem:$0xEB90];
	v2 =	vadd.f32 v10, v2;
	v0 =	vadd.f32 v12, v0  }
0x1bc: {  	v37 =	vld [tilespmem:$0xEBA0];
	v3 =	vadd.f32 v11, v3;
	v1 =	vadd.f32 v13, v1  }
0x1bd: {  	v38 =	vld [tilespmem:$0xEBB0];
	v2 =	vadd.f32 v14, v2;
	v0 =	vadd.f32 v16, v0  }
0x1be: {  	v39 =	vld [tilespmem:$0xEC00];
	v3 =	vadd.f32 v15, v3;
	v1 =	vadd.f32 v17, v1  }
0x1bf: {  	v40 =	vld [tilespmem:$0xEC10];
	v2 =	vadd.f32 v18, v2;
	v0 =	vadd.f32 v20, v0  }
0x1c0: {  	v41 =	vld [tilespmem:$0xEC20];
	v3 =	vadd.f32 v19, v3;
	v1 =	vadd.f32 v21, v1  }
0x1c1: {  	v42 =	vld [tilespmem:$0xEC30];
	v2 =	vadd.f32 v22, v2;
	v0 =	vadd.f32 v24, v0  }
0x1c2: {  	v43 =	vld [tilespmem:$0xEC80];
	v3 =	vadd.f32 v23, v3;
	v1 =	vadd.f32 v25, v1  }
0x1c3: {  	v44 =	vld [tilespmem:$0xEC90];
	v2 =	vadd.f32 v26, v2;
	v0 =	vadd.f32 v28, v0  }
0x1c4: {  	v45 =	vld [tilespmem:$0xECA0];
	v3 =	vadd.f32 v27, v3;
	v1 =	vadd.f32 v29, v1  }
0x1c5: {  	v46 =	vld [tilespmem:$0xECB0];
	v2 =	vadd.f32 v30, v2;
	v0 =	vadd.f32 v32, v0  }
0x1c6: {  	v47 =	vld [tilespmem:$0xED00];
	v3 =	vadd.f32 v31, v3;
	v1 =	vadd.f32 v33, v1  }
0x1c7: {  	v48 =	vld [tilespmem:$0xED10];
	v2 =	vadd.f32 v34, v2;
	v0 =	vadd.f32 v36, v0  }
0x1c8: {  	v49 =	vld [tilespmem:$0xED20];
	v3 =	vadd.f32 v35, v3;
	v1 =	vadd.f32 v59, v1  }
0x1c9: {  	v50 =	vld [tilespmem:$0xED30];
	v2 =	vadd.f32 v60, v2;
	v0 =	vadd.f32 v62, v0  }
0x1ca: {  	v51 =	vld [tilespmem:$0xED80];
	v3 =	vadd.f32 v61, v3;
	v1 =	vadd.f32 v63, v1  }
0x1cb: {  	v52 =	vld [tilespmem:$0xED90];
	v2 =	vadd.f32 v37, v2;
	v0 =	vadd.f32 v39, v0  }
0x1cc: {  	v53 =	vld [tilespmem:$0xEDA0];
	v3 =	vadd.f32 v38, v3;
	v1 =	vadd.f32 v40, v1  }
0x1cd: {  	v54 =	vld [tilespmem:$0xEDB0];
	v2 =	vadd.f32 v41, v2;
	v0 =	vadd.f32 v43, v0  }
0x1ce: {  	v55 =	vld [tilespmem:$0xEE00];
	v3 =	vadd.f32 v42, v3;
	v1 =	vadd.f32 v44, v1  }
0x1cf: {  	v56 =	vld [tilespmem:$0xEE10];
	v2 =	vadd.f32 v45, v2;
	v0 =	vadd.f32 v47, v0  }
0x1d0: {  	v57 =	vld [tilespmem:$0xEE20];
	v3 =	vadd.f32 v46, v3;
	v1 =	vadd.f32 v48, v1  }
0x1d1: {  	v58 =	vld [tilespmem:$0xEE30];
	v2 =	vadd.f32 v49, v2;
	v0 =	vadd.f32 v51, v0  }
0x1d2: {  	v3 =	vadd.f32 v50, v3;
	v1 =	vadd.f32 v52, v1  }
0x1d3: {  	v2 =	vadd.f32 v53, v2;
	v0 =	vadd.f32 v55, v0  }
0x1d4: {  	v3 =	vadd.f32 v54, v3;
	v1 =	vadd.f32 v56, v1  }
0x1d5: {  	v2 =	vadd.f32 v57, v2;
	(xrf2) =	vadd.scan.msk.f32 $0xffff, v0  }
0x1d6: {  	v59 =	vadd.f32 v58, v3;
	(xrf2) =	vadd.scan.msk.f32 $0xffff, v1  }
0x1d7: {  	(xrf2) =	vadd.scan.msk.f32 $0xffff, v2  }
0x1d8: {  	(xrf2) =	vadd.scan.msk.f32 $0xffff, v59;
	_ =	sdelay $0x6  }
0x1d9: {  	v60, _, _ =	vpop (xrf2)  }
0x1da: {  	v1, _, _ =	vpop (xrf2)  }
0x1db: {  	v2, _, _ =	vpop (xrf2)  }
0x1dc: {  	v1 =	vadd.f32 $0.0e+00, v1;
	v61, _, _ =	vpop (xrf2)  }
0x1dd: {  	v3 =	vadd.f32 $0.0e+00, v61  }
0x1de: {  	v1 =	vadd.f32 $9.999999740e-05, v1  }
0x1df: {  	v3 =	vadd.f32 $9.999999740e-05, v3  }
0x1e0: {  	v1 =	vbroadcast v1, $0xF  }
0x1e1: {  	v3 =	vbroadcast v3, $0xF  }
0x1e2: {  	(erf) = vrcp.f32 v1  }
0x1e3: {  	(erf) = vrcp.f32 v3;
	_ =	sdelay $0x5  }
0x1e4: {  	v0 =	vadd.f32 $0.0e+00, v60;
	v62 =	vadd.f32 $0.0e+00, v2;
	_ =	sdelay $0x1  }
0x1e5: {  	v0 =	vbroadcast v0, $0xF;
	v1 =	vbroadcast v62, $0xF;
	v63 =	vpop (erf)  }
0x1e6: {  	v3 =	vpop (erf)  }
0x1e7: {  	v0 =	vmul.f32 v63, v0;
	v1 =	vmul.f32 v3, v1;
	_ =	sdelay $0x1  }
0x1e8: {  	v0 =	vadd.f32 v1, v0;
	_ =	sdelay $0x1  }
0x1e9: {  	s31 =	simm.s32 $0x0;
	[tilespmem:$0xE600] =	vst v0  }
0x1ea: {  	[hbm4b:s1+s31] =	stream.linear.scatter [tilespmem:s5], [sflag:$0x3], $0x8, $0x38;
	[tilespmem:$0xEF00] =	vst v63  }
0x1eb: {  	_ =	swait.ge [sflag:s4], $0x8  }
0x1ec: {  	[sflag:s4] =	ssyncset.done $0x0  }
0x1ed: {  	[sflag:s4] =	ssyncadd.s32 $0xFFFFFFF8  }
0x1ee: {  	_ =	sfence.sel $0x180000  }
0x1ef: {  	[bflag:$0x0] =	sbarrier.arrive $0xFFFF  }
0x1f0: {  	_ =	strace $0x90000047  }
0x1f1: {  	s0 =	sadd.s32 $0x100000, s0;
	[bflag:$0x2] =	sbarrier.arrive $0xFFFF  }
0x1f2: {  	[sflag:s0] =	ssyncadd.tile.s32 $0x1;
	_ =	shalt  }
.Lfunc_end2:
_tile_overlayer_lowered:
.L_overlay_start_2:
0x1f3: {  	(tag) =	ssettag $0x2  }
0x1f4: {  	s0 =	rddreg [dreg:$0x0];
	s2 =	stileid.u32  }
0x1f5: {  	s1 =	rddreg [dreg:$0x1];
	p0 =	sne.s32 s2, $0x0  }
0x1f6: {  	s3 =	rddreg [dreg:$0x2];
	[bflag:$0x3] =	sbarrier.arrive $0xFFFF;
	s2 =	simm.s32 @!p0 $0x1C03  }
0x1f7: {  	[timem:s3], [sflag:s2] =	dma.local @!p0 [hbm:s0], s1  }
0x1f8: {  	s0 =	simm.s32 @!p0 $0x3  }
0x1f9: {  	_ =	swait.ge @!p0 [sflag:s0], s1  }
0x1fa: {  	s1 =	ssub.s32 @!p0 $0x0, s1;
	[sflag:s0] =	ssyncset.done @!p0 $0x0  }
0x1fb: {  	[sflag:s0] =	ssyncadd.s32 @!p0 s1  }
0x1fc: {  	[bflag:$0x3] =	sbarrier.arrive $0xFFFF  }
0x1fd: {  	_ =	shalt  }

</sc_bundles>
